<compile_context>
chip_gen: v7x
topology: tpu7x:2x2x1
jax: 0.10.2.dev20260603
libtpu: 0.0.44.dev20260713+nightly
codegen_flags: <defaults>
</compile_context>

<pallas_src>
import functools

import jax
import jax.numpy as jnp
from jax import lax
from jax.experimental import pallas as pl
from jax.experimental.pallas import tpu as pltpu
from jax.experimental.pallas import tpu_sc as plsc


def kernel(sequence, pos_table):
    B, L = sequence.shape
    D = pos_table.shape[1]
    table = pos_table[:L]

    info = plsc.get_sparse_core_info()
    NC, NS = info.num_cores, info.num_subcores
    NW = NC * NS
    rows_per_w = B // NW
    REP = 4
    n_chunks = rows_per_w // REP

    mesh = plsc.VectorSubcoreMesh(core_axis_name="c", subcore_axis_name="s")

    @functools.partial(
        pl.kernel,
        mesh=mesh,
        out_type=jax.ShapeDtypeStruct((B, L, D), jnp.float32),
        scratch_types=[
            pltpu.VMEM((REP, L, D), jnp.float32),
            pltpu.SemaphoreType.DMA,
        ],
    )
    def pe_kernel(table_hbm, out_hbm, rep_v, sem):
        wid = lax.axis_index("s") * NC + lax.axis_index("c")
        base = wid * rows_per_w
        stages = [pltpu.async_copy(table_hbm, rep_v.at[j], sem) for j in range(REP)]
        for c in stages:
            c.wait()
        copies = [
            pltpu.async_copy(rep_v, out_hbm.at[pl.ds(base + i * REP, REP)], sem)
            for i in range(n_chunks)
        ]
        for c in copies:
            c.wait()

    return pe_kernel(table)

# --- scband reference (transcript-rebuilt; emitter-appended) ---
"""Pipeline reference for scband-positional-encoder-57329223467529 (READ-ONLY COPY).

The authoritative reference and input builder live on the scoring server;
editing this copy changes nothing except your own understanding.
"""

import jax, jax.numpy as jnp
import numpy as np

OUTPUT_DIM = 64
MAX_LEN = 10000
BATCH = 4096
SEQ_LEN = 200


def _build_position_encoding(max_len, output_dim, mask_zero=False):
    pos = np.arange(max_len, dtype=np.float64)[:, None]
    i = np.arange(output_dim, dtype=np.float64)[None, :]
    angle = pos / np.power(10000.0, (i - (i % 2)) / output_dim)
    if mask_zero:
        angle[0, :] = 0.0
    pe = angle.copy()
    pe[:, 0::2] = np.sin(pe[:, 0::2])
    pe[:, 1::2] = np.cos(pe[:, 1::2])
    return jnp.asarray(pe, dtype=jnp.float32)


def setup_inputs(seed: int = 0) -> dict:
    key = jax.random.key(seed)
    sequence = jax.random.randint(key, (BATCH, SEQ_LEN), 0, 100000, dtype=jnp.int64 if jax.config.read('jax_enable_x64') else jnp.int32)
    pos_table = _build_position_encoding(MAX_LEN, OUTPUT_DIM, mask_zero=False)
    return {"sequence": sequence, "pos_table": pos_table}


def reference(sequence, pos_table):
    B, L = sequence.shape
    positions = jnp.tile(jnp.arange(L, dtype=jnp.int32)[None, :], (B, 1))
    pe = jnp.take(pos_table, positions, axis=0)
    return pe

if __name__ == "__main__":
    import jax
    _d = setup_inputs()
    print(jax.jit(kernel)(*tuple(_d.values())))

</pallas_src>

<mosaic_0001>
#map = affine_map<(d0, d1) -> (0, 0)>
#map1 = affine_map<(d0, d1) -> (0, 0, 0)>
module attributes {stable_mosaic.version = 14 : i64} {
  func.func @pe_kernel(%arg0: i32, %arg1: i32, %arg2: memref<200x64xf32, #tpu.memory_space<hbm>>, %arg3: memref<4096x200x64xf32, #tpu.memory_space<hbm>>, %arg4: memref<4x200x64xf32, #tpu.memory_space<vmem>>, %arg5: memref<!tpu.dma_semaphore, #tpu.memory_space<semaphore_mem>>) attributes {dimension_semantics = [#tpu.dimension_semantics<core_parallel>, #tpu.dimension_semantics<subcore_parallel>], iteration_bounds = array<i64: 2, 16>, scalar_prefetch = 0 : i64, scratch_operands = 2 : i64, tpu.core_type = #tpu.core_type<sc_vector_subcore>, window_params = [{transform_indices = #map}, {transform_indices = #map1}]} {
    %mul3A = arith.constant 2 : i32
    %mul3A_0 = arith.muli %arg1, %mul3A : i32
    %add3A = arith.addi %mul3A_0, %arg0 : i32
    %mul3A_1 = arith.constant 128 : i32
    %mul3A_2 = arith.muli %add3A, %mul3A_1 : i32
    %dma_start3A = arith.constant 0 : i32
    %dma_start3A_3 = arith.constant 0 : i32
    %dma_start3A_4 = arith.constant 0 : i32
    %dma_start3A_5 = tpu.memref_slice %arg4[%dma_start3A, %dma_start3A_3, %dma_start3A_4] : memref<4x200x64xf32, #tpu.memory_space<vmem>> -> memref<1x200x64xf32, #tpu.memory_space<vmem>>
    %dma_start3A_6 = tpu.memref_squeeze %dma_start3A_5 : memref<1x200x64xf32, #tpu.memory_space<vmem>> -> memref<200x64xf32, #tpu.memory_space<vmem>>
    %dma_start3A_7 = arith.constant 0 : i32
    %dma_start3A_8 = arith.constant 0 : i32
    %dma_start3A_9 = tpu.memref_slice %arg4[%dma_start3A, %dma_start3A_7, %dma_start3A_8] : memref<4x200x64xf32, #tpu.memory_space<vmem>> -> memref<1x200x64xf32, #tpu.memory_space<vmem>>
    %dma_start3A_10 = tpu.memref_squeeze %dma_start3A_9 : memref<1x200x64xf32, #tpu.memory_space<vmem>> -> memref<200x64xf32, #tpu.memory_space<vmem>>
    tpu.enqueue_dma source(%arg2 : memref<200x64xf32, #tpu.memory_space<hbm>>) target(%dma_start3A_10 : memref<200x64xf32, #tpu.memory_space<vmem>>) target_semaphore(%arg5 : memref<!tpu.dma_semaphore, #tpu.memory_space<semaphore_mem>>)
    %dma_start3A_11 = arith.constant 1 : i32
    %dma_start3A_12 = arith.constant 0 : i32
    %dma_start3A_13 = arith.constant 0 : i32
    %dma_start3A_14 = tpu.memref_slice %arg4[%dma_start3A_11, %dma_start3A_12, %dma_start3A_13] : memref<4x200x64xf32, #tpu.memory_space<vmem>> -> memref<1x200x64xf32, #tpu.memory_space<vmem>>
    %dma_start3A_15 = tpu.memref_squeeze %dma_start3A_14 : memref<1x200x64xf32, #tpu.memory_space<vmem>> -> memref<200x64xf32, #tpu.memory_space<vmem>>
    %dma_start3A_16 = arith.constant 0 : i32
    %dma_start3A_17 = arith.constant 0 : i32
    %dma_start3A_18 = tpu.memref_slice %arg4[%dma_start3A_11, %dma_start3A_16, %dma_start3A_17] : memref<4x200x64xf32, #tpu.memory_space<vmem>> -> memref<1x200x64xf32, #tpu.memory_space<vmem>>
    %dma_start3A_19 = tpu.memref_squeeze %dma_start3A_18 : memref<1x200x64xf32, #tpu.memory_space<vmem>> -> memref<200x64xf32, #tpu.memory_space<vmem>>
    tpu.enqueue_dma source(%arg2 : memref<200x64xf32, #tpu.memory_space<hbm>>) target(%dma_start3A_19 : memref<200x64xf32, #tpu.memory_space<vmem>>) target_semaphore(%arg5 : memref<!tpu.dma_semaphore, #tpu.memory_space<semaphore_mem>>)
    %dma_start3A_20 = arith.constant 2 : i32
    %dma_start3A_21 = arith.constant 0 : i32
    %dma_start3A_22 = arith.constant 0 : i32
    %dma_start3A_23 = tpu.memref_slice %arg4[%dma_start3A_20, %dma_start3A_21, %dma_start3A_22] : memref<4x200x64xf32, #tpu.memory_space<vmem>> -> memref<1x200x64xf32, #tpu.memory_space<vmem>>
    %dma_start3A_24 = tpu.memref_squeeze %dma_start3A_23 : memref<1x200x64xf32, #tpu.memory_space<vmem>> -> memref<200x64xf32, #tpu.memory_space<vmem>>
    %dma_start3A_25 = arith.constant 0 : i32
    %dma_start3A_26 = arith.constant 0 : i32
    %dma_start3A_27 = tpu.memref_slice %arg4[%dma_start3A_20, %dma_start3A_25, %dma_start3A_26] : memref<4x200x64xf32, #tpu.memory_space<vmem>> -> memref<1x200x64xf32, #tpu.memory_space<vmem>>
    %dma_start3A_28 = tpu.memref_squeeze %dma_start3A_27 : memref<1x200x64xf32, #tpu.memory_space<vmem>> -> memref<200x64xf32, #tpu.memory_space<vmem>>
    tpu.enqueue_dma source(%arg2 : memref<200x64xf32, #tpu.memory_space<hbm>>) target(%dma_start3A_28 : memref<200x64xf32, #tpu.memory_space<vmem>>) target_semaphore(%arg5 : memref<!tpu.dma_semaphore, #tpu.memory_space<semaphore_mem>>)
    %dma_start3A_29 = arith.constant 3 : i32
    %dma_start3A_30 = arith.constant 0 : i32
    %dma_start3A_31 = arith.constant 0 : i32
    %dma_start3A_32 = tpu.memref_slice %arg4[%dma_start3A_29, %dma_start3A_30, %dma_start3A_31] : memref<4x200x64xf32, #tpu.memory_space<vmem>> -> memref<1x200x64xf32, #tpu.memory_space<vmem>>
    %dma_start3A_33 = tpu.memref_squeeze %dma_start3A_32 : memref<1x200x64xf32, #tpu.memory_space<vmem>> -> memref<200x64xf32, #tpu.memory_space<vmem>>
    %dma_start3A_34 = arith.constant 0 : i32
    %dma_start3A_35 = arith.constant 0 : i32
    %dma_start3A_36 = tpu.memref_slice %arg4[%dma_start3A_29, %dma_start3A_34, %dma_start3A_35] : memref<4x200x64xf32, #tpu.memory_space<vmem>> -> memref<1x200x64xf32, #tpu.memory_space<vmem>>
    %dma_start3A_37 = tpu.memref_squeeze %dma_start3A_36 : memref<1x200x64xf32, #tpu.memory_space<vmem>> -> memref<200x64xf32, #tpu.memory_space<vmem>>
    tpu.enqueue_dma source(%arg2 : memref<200x64xf32, #tpu.memory_space<hbm>>) target(%dma_start3A_37 : memref<200x64xf32, #tpu.memory_space<vmem>>) target_semaphore(%arg5 : memref<!tpu.dma_semaphore, #tpu.memory_space<semaphore_mem>>)
    %dma_wait3A = arith.constant 0 : i32
    %dma_wait3A_38 = arith.constant 0 : i32
    %dma_wait3A_39 = arith.constant 0 : i32
    %dma_wait3A_40 = tpu.memref_slice %arg4[%dma_wait3A, %dma_wait3A_38, %dma_wait3A_39] : memref<4x200x64xf32, #tpu.memory_space<vmem>> -> memref<1x200x64xf32, #tpu.memory_space<vmem>>
    %dma_wait3A_41 = tpu.memref_squeeze %dma_wait3A_40 : memref<1x200x64xf32, #tpu.memory_space<vmem>> -> memref<200x64xf32, #tpu.memory_space<vmem>>
    %dma_wait3A_42 = arith.constant 0 : i32
    %dma_wait3A_43 = arith.constant 0 : i32
    %dma_wait3A_44 = tpu.memref_slice %arg4[%dma_wait3A, %dma_wait3A_42, %dma_wait3A_43] : memref<4x200x64xf32, #tpu.memory_space<vmem>> -> memref<1x200x64xf32, #tpu.memory_space<vmem>>
    %dma_wait3A_45 = tpu.memref_squeeze %dma_wait3A_44 : memref<1x200x64xf32, #tpu.memory_space<vmem>> -> memref<200x64xf32, #tpu.memory_space<vmem>>
    tpu.wait_dma2 semaphore(%arg5 : memref<!tpu.dma_semaphore, #tpu.memory_space<semaphore_mem>>) src(%arg2 : memref<200x64xf32, #tpu.memory_space<hbm>>) dst(%dma_wait3A_45 : memref<200x64xf32, #tpu.memory_space<vmem>>)
    %dma_wait3A_46 = arith.constant 1 : i32
    %dma_wait3A_47 = arith.constant 0 : i32
    %dma_wait3A_48 = arith.constant 0 : i32
    %dma_wait3A_49 = tpu.memref_slice %arg4[%dma_wait3A_46, %dma_wait3A_47, %dma_wait3A_48] : memref<4x200x64xf32, #tpu.memory_space<vmem>> -> memref<1x200x64xf32, #tpu.memory_space<vmem>>
    %dma_wait3A_50 = tpu.memref_squeeze %dma_wait3A_49 : memref<1x200x64xf32, #tpu.memory_space<vmem>> -> memref<200x64xf32, #tpu.memory_space<vmem>>
    %dma_wait3A_51 = arith.constant 0 : i32
    %dma_wait3A_52 = arith.constant 0 : i32
    %dma_wait3A_53 = tpu.memref_slice %arg4[%dma_wait3A_46, %dma_wait3A_51, %dma_wait3A_52] : memref<4x200x64xf32, #tpu.memory_space<vmem>> -> memref<1x200x64xf32, #tpu.memory_space<vmem>>
    %dma_wait3A_54 = tpu.memref_squeeze %dma_wait3A_53 : memref<1x200x64xf32, #tpu.memory_space<vmem>> -> memref<200x64xf32, #tpu.memory_space<vmem>>
    tpu.wait_dma2 semaphore(%arg5 : memref<!tpu.dma_semaphore, #tpu.memory_space<semaphore_mem>>) src(%arg2 : memref<200x64xf32, #tpu.memory_space<hbm>>) dst(%dma_wait3A_54 : memref<200x64xf32, #tpu.memory_space<vmem>>)
    %dma_wait3A_55 = arith.constant 2 : i32
    %dma_wait3A_56 = arith.constant 0 : i32
    %dma_wait3A_57 = arith.constant 0 : i32
    %dma_wait3A_58 = tpu.memref_slice %arg4[%dma_wait3A_55, %dma_wait3A_56, %dma_wait3A_57] : memref<4x200x64xf32, #tpu.memory_space<vmem>> -> memref<1x200x64xf32, #tpu.memory_space<vmem>>
    %dma_wait3A_59 = tpu.memref_squeeze %dma_wait3A_58 : memref<1x200x64xf32, #tpu.memory_space<vmem>> -> memref<200x64xf32, #tpu.memory_space<vmem>>
    %dma_wait3A_60 = arith.constant 0 : i32
    %dma_wait3A_61 = arith.constant 0 : i32
    %dma_wait3A_62 = tpu.memref_slice %arg4[%dma_wait3A_55, %dma_wait3A_60, %dma_wait3A_61] : memref<4x200x64xf32, #tpu.memory_space<vmem>> -> memref<1x200x64xf32, #tpu.memory_space<vmem>>
    %dma_wait3A_63 = tpu.memref_squeeze %dma_wait3A_62 : memref<1x200x64xf32, #tpu.memory_space<vmem>> -> memref<200x64xf32, #tpu.memory_space<vmem>>
    tpu.wait_dma2 semaphore(%arg5 : memref<!tpu.dma_semaphore, #tpu.memory_space<semaphore_mem>>) src(%arg2 : memref<200x64xf32, #tpu.memory_space<hbm>>) dst(%dma_wait3A_63 : memref<200x64xf32, #tpu.memory_space<vmem>>)
    %dma_wait3A_64 = arith.constant 3 : i32
    %dma_wait3A_65 = arith.constant 0 : i32
    %dma_wait3A_66 = arith.constant 0 : i32
    %dma_wait3A_67 = tpu.memref_slice %arg4[%dma_wait3A_64, %dma_wait3A_65, %dma_wait3A_66] : memref<4x200x64xf32, #tpu.memory_space<vmem>> -> memref<1x200x64xf32, #tpu.memory_space<vmem>>
    %dma_wait3A_68 = tpu.memref_squeeze %dma_wait3A_67 : memref<1x200x64xf32, #tpu.memory_space<vmem>> -> memref<200x64xf32, #tpu.memory_space<vmem>>
    %dma_wait3A_69 = arith.constant 0 : i32
    %dma_wait3A_70 = arith.constant 0 : i32
    %dma_wait3A_71 = tpu.memref_slice %arg4[%dma_wait3A_64, %dma_wait3A_69, %dma_wait3A_70] : memref<4x200x64xf32, #tpu.memory_space<vmem>> -> memref<1x200x64xf32, #tpu.memory_space<vmem>>
    %dma_wait3A_72 = tpu.memref_squeeze %dma_wait3A_71 : memref<1x200x64xf32, #tpu.memory_space<vmem>> -> memref<200x64xf32, #tpu.memory_space<vmem>>
    tpu.wait_dma2 semaphore(%arg5 : memref<!tpu.dma_semaphore, #tpu.memory_space<semaphore_mem>>) src(%arg2 : memref<200x64xf32, #tpu.memory_space<hbm>>) dst(%dma_wait3A_72 : memref<200x64xf32, #tpu.memory_space<vmem>>)
    %add3A_73 = arith.constant 0 : i32
    %add3A_74 = arith.addi %mul3A_2, %add3A_73 : i32
    %dma_start3A_75 = arith.constant 0 : i32
    %dma_start3A_76 = arith.constant 0 : i32
    %dma_start3A_77 = tpu.memref_slice %arg3[%add3A_74, %dma_start3A_75, %dma_start3A_76] : memref<4096x200x64xf32, #tpu.memory_space<hbm>> -> memref<4x200x64xf32, #tpu.memory_space<hbm>>
    %dma_start3A_78 = arith.constant 0 : i32
    %dma_start3A_79 = arith.constant 0 : i32
    %dma_start3A_80 = tpu.memref_slice %arg3[%add3A_74, %dma_start3A_78, %dma_start3A_79] : memref<4096x200x64xf32, #tpu.memory_space<hbm>> -> memref<4x200x64xf32, #tpu.memory_space<hbm>>
    tpu.enqueue_dma source(%arg4 : memref<4x200x64xf32, #tpu.memory_space<vmem>>) target(%dma_start3A_80 : memref<4x200x64xf32, #tpu.memory_space<hbm>>) target_semaphore(%arg5 : memref<!tpu.dma_semaphore, #tpu.memory_space<semaphore_mem>>)
    %add3A_81 = arith.constant 4 : i32
    %add3A_82 = arith.addi %mul3A_2, %add3A_81 : i32
    %dma_start3A_83 = arith.constant 0 : i32
    %dma_start3A_84 = arith.constant 0 : i32
    %dma_start3A_85 = tpu.memref_slice %arg3[%add3A_82, %dma_start3A_83, %dma_start3A_84] : memref<4096x200x64xf32, #tpu.memory_space<hbm>> -> memref<4x200x64xf32, #tpu.memory_space<hbm>>
    %dma_start3A_86 = arith.constant 0 : i32
    %dma_start3A_87 = arith.constant 0 : i32
    %dma_start3A_88 = tpu.memref_slice %arg3[%add3A_82, %dma_start3A_86, %dma_start3A_87] : memref<4096x200x64xf32, #tpu.memory_space<hbm>> -> memref<4x200x64xf32, #tpu.memory_space<hbm>>
    tpu.enqueue_dma source(%arg4 : memref<4x200x64xf32, #tpu.memory_space<vmem>>) target(%dma_start3A_88 : memref<4x200x64xf32, #tpu.memory_space<hbm>>) target_semaphore(%arg5 : memref<!tpu.dma_semaphore, #tpu.memory_space<semaphore_mem>>)
    %add3A_89 = arith.constant 8 : i32
    %add3A_90 = arith.addi %mul3A_2, %add3A_89 : i32
    %dma_start3A_91 = arith.constant 0 : i32
    %dma_start3A_92 = arith.constant 0 : i32
    %dma_start3A_93 = tpu.memref_slice %arg3[%add3A_90, %dma_start3A_91, %dma_start3A_92] : memref<4096x200x64xf32, #tpu.memory_space<hbm>> -> memref<4x200x64xf32, #tpu.memory_space<hbm>>
    %dma_start3A_94 = arith.constant 0 : i32
    %dma_start3A_95 = arith.constant 0 : i32
    %dma_start3A_96 = tpu.memref_slice %arg3[%add3A_90, %dma_start3A_94, %dma_start3A_95] : memref<4096x200x64xf32, #tpu.memory_space<hbm>> -> memref<4x200x64xf32, #tpu.memory_space<hbm>>
    tpu.enqueue_dma source(%arg4 : memref<4x200x64xf32, #tpu.memory_space<vmem>>) target(%dma_start3A_96 : memref<4x200x64xf32, #tpu.memory_space<hbm>>) target_semaphore(%arg5 : memref<!tpu.dma_semaphore, #tpu.memory_space<semaphore_mem>>)
    %add3A_97 = arith.constant 12 : i32
    %add3A_98 = arith.addi %mul3A_2, %add3A_97 : i32
    %dma_start3A_99 = arith.constant 0 : i32
    %dma_start3A_100 = arith.constant 0 : i32
    %dma_start3A_101 = tpu.memref_slice %arg3[%add3A_98, %dma_start3A_99, %dma_start3A_100] : memref<4096x200x64xf32, #tpu.memory_space<hbm>> -> memref<4x200x64xf32, #tpu.memory_space<hbm>>
    %dma_start3A_102 = arith.constant 0 : i32
    %dma_start3A_103 = arith.constant 0 : i32
    %dma_start3A_104 = tpu.memref_slice %arg3[%add3A_98, %dma_start3A_102, %dma_start3A_103] : memref<4096x200x64xf32, #tpu.memory_space<hbm>> -> memref<4x200x64xf32, #tpu.memory_space<hbm>>
    tpu.enqueue_dma source(%arg4 : memref<4x200x64xf32, #tpu.memory_space<vmem>>) target(%dma_start3A_104 : memref<4x200x64xf32, #tpu.memory_space<hbm>>) target_semaphore(%arg5 : memref<!tpu.dma_semaphore, #tpu.memory_space<semaphore_mem>>)
    %add3A_105 = arith.constant 16 : i32
    %add3A_106 = arith.addi %mul3A_2, %add3A_105 : i32
    %dma_start3A_107 = arith.constant 0 : i32
    %dma_start3A_108 = arith.constant 0 : i32
    %dma_start3A_109 = tpu.memref_slice %arg3[%add3A_106, %dma_start3A_107, %dma_start3A_108] : memref<4096x200x64xf32, #tpu.memory_space<hbm>> -> memref<4x200x64xf32, #tpu.memory_space<hbm>>
    %dma_start3A_110 = arith.constant 0 : i32
    %dma_start3A_111 = arith.constant 0 : i32
    %dma_start3A_112 = tpu.memref_slice %arg3[%add3A_106, %dma_start3A_110, %dma_start3A_111] : memref<4096x200x64xf32, #tpu.memory_space<hbm>> -> memref<4x200x64xf32, #tpu.memory_space<hbm>>
    tpu.enqueue_dma source(%arg4 : memref<4x200x64xf32, #tpu.memory_space<vmem>>) target(%dma_start3A_112 : memref<4x200x64xf32, #tpu.memory_space<hbm>>) target_semaphore(%arg5 : memref<!tpu.dma_semaphore, #tpu.memory_space<semaphore_mem>>)
    %add3A_113 = arith.constant 20 : i32
    %add3A_114 = arith.addi %mul3A_2, %add3A_113 : i32
    %dma_start3A_115 = arith.constant 0 : i32
    %dma_start3A_116 = arith.constant 0 : i32
    %dma_start3A_117 = tpu.memref_slice %arg3[%add3A_114, %dma_start3A_115, %dma_start3A_116] : memref<4096x200x64xf32, #tpu.memory_space<hbm>> -> memref<4x200x64xf32, #tpu.memory_space<hbm>>
    %dma_start3A_118 = arith.constant 0 : i32
    %dma_start3A_119 = arith.constant 0 : i32
    %dma_start3A_120 = tpu.memref_slice %arg3[%add3A_114, %dma_start3A_118, %dma_start3A_119] : memref<4096x200x64xf32, #tpu.memory_space<hbm>> -> memref<4x200x64xf32, #tpu.memory_space<hbm>>
    tpu.enqueue_dma source(%arg4 : memref<4x200x64xf32, #tpu.memory_space<vmem>>) target(%dma_start3A_120 : memref<4x200x64xf32, #tpu.memory_space<hbm>>) target_semaphore(%arg5 : memref<!tpu.dma_semaphore, #tpu.memory_space<semaphore_mem>>)
    %add3A_121 = arith.constant 24 : i32
    %add3A_122 = arith.addi %mul3A_2, %add3A_121 : i32
    %dma_start3A_123 = arith.constant 0 : i32
    %dma_start3A_124 = arith.constant 0 : i32
    %dma_start3A_125 = tpu.memref_slice %arg3[%add3A_122, %dma_start3A_123, %dma_start3A_124] : memref<4096x200x64xf32, #tpu.memory_space<hbm>> -> memref<4x200x64xf32, #tpu.memory_space<hbm>>
    %dma_start3A_126 = arith.constant 0 : i32
    %dma_start3A_127 = arith.constant 0 : i32
    %dma_start3A_128 = tpu.memref_slice %arg3[%add3A_122, %dma_start3A_126, %dma_start3A_127] : memref<4096x200x64xf32, #tpu.memory_space<hbm>> -> memref<4x200x64xf32, #tpu.memory_space<hbm>>
    tpu.enqueue_dma source(%arg4 : memref<4x200x64xf32, #tpu.memory_space<vmem>>) target(%dma_start3A_128 : memref<4x200x64xf32, #tpu.memory_space<hbm>>) target_semaphore(%arg5 : memref<!tpu.dma_semaphore, #tpu.memory_space<semaphore_mem>>)
    %add3A_129 = arith.constant 28 : i32
    %add3A_130 = arith.addi %mul3A_2, %add3A_129 : i32
    %dma_start3A_131 = arith.constant 0 : i32
    %dma_start3A_132 = arith.constant 0 : i32
    %dma_start3A_133 = tpu.memref_slice %arg3[%add3A_130, %dma_start3A_131, %dma_start3A_132] : memref<4096x200x64xf32, #tpu.memory_space<hbm>> -> memref<4x200x64xf32, #tpu.memory_space<hbm>>
    %dma_start3A_134 = arith.constant 0 : i32
    %dma_start3A_135 = arith.constant 0 : i32
    %dma_start3A_136 = tpu.memref_slice %arg3[%add3A_130, %dma_start3A_134, %dma_start3A_135] : memref<4096x200x64xf32, #tpu.memory_space<hbm>> -> memref<4x200x64xf32, #tpu.memory_space<hbm>>
    tpu.enqueue_dma source(%arg4 : memref<4x200x64xf32, #tpu.memory_space<vmem>>) target(%dma_start3A_136 : memref<4x200x64xf32, #tpu.memory_space<hbm>>) target_semaphore(%arg5 : memref<!tpu.dma_semaphore, #tpu.memory_space<semaphore_mem>>)
    %add3A_137 = arith.constant 32 : i32
    %add3A_138 = arith.addi %mul3A_2, %add3A_137 : i32
    %dma_start3A_139 = arith.constant 0 : i32
    %dma_start3A_140 = arith.constant 0 : i32
    %dma_start3A_141 = tpu.memref_slice %arg3[%add3A_138, %dma_start3A_139, %dma_start3A_140] : memref<4096x200x64xf32, #tpu.memory_space<hbm>> -> memref<4x200x64xf32, #tpu.memory_space<hbm>>
    %dma_start3A_142 = arith.constant 0 : i32
    %dma_start3A_143 = arith.constant 0 : i32
    %dma_start3A_144 = tpu.memref_slice %arg3[%add3A_138, %dma_start3A_142, %dma_start3A_143] : memref<4096x200x64xf32, #tpu.memory_space<hbm>> -> memref<4x200x64xf32, #tpu.memory_space<hbm>>
    tpu.enqueue_dma source(%arg4 : memref<4x200x64xf32, #tpu.memory_space<vmem>>) target(%dma_start3A_144 : memref<4x200x64xf32, #tpu.memory_space<hbm>>) target_semaphore(%arg5 : memref<!tpu.dma_semaphore, #tpu.memory_space<semaphore_mem>>)
    %add3A_145 = arith.constant 36 : i32
    %add3A_146 = arith.addi %mul3A_2, %add3A_145 : i32
    %dma_start3A_147 = arith.constant 0 : i32
    %dma_start3A_148 = arith.constant 0 : i32
    %dma_start3A_149 = tpu.memref_slice %arg3[%add3A_146, %dma_start3A_147, %dma_start3A_148] : memref<4096x200x64xf32, #tpu.memory_space<hbm>> -> memref<4x200x64xf32, #tpu.memory_space<hbm>>
    %dma_start3A_150 = arith.constant 0 : i32
    %dma_start3A_151 = arith.constant 0 : i32
    %dma_start3A_152 = tpu.memref_slice %arg3[%add3A_146, %dma_start3A_150, %dma_start3A_151] : memref<4096x200x64xf32, #tpu.memory_space<hbm>> -> memref<4x200x64xf32, #tpu.memory_space<hbm>>
    tpu.enqueue_dma source(%arg4 : memref<4x200x64xf32, #tpu.memory_space<vmem>>) target(%dma_start3A_152 : memref<4x200x64xf32, #tpu.memory_space<hbm>>) target_semaphore(%arg5 : memref<!tpu.dma_semaphore, #tpu.memory_space<semaphore_mem>>)
    %add3A_153 = arith.constant 40 : i32
    %add3A_154 = arith.addi %mul3A_2, %add3A_153 : i32
    %dma_start3A_155 = arith.constant 0 : i32
    %dma_start3A_156 = arith.constant 0 : i32
    %dma_start3A_157 = tpu.memref_slice %arg3[%add3A_154, %dma_start3A_155, %dma_start3A_156] : memref<4096x200x64xf32, #tpu.memory_space<hbm>> -> memref<4x200x64xf32, #tpu.memory_space<hbm>>
    %dma_start3A_158 = arith.constant 0 : i32
    %dma_start3A_159 = arith.constant 0 : i32
    %dma_start3A_160 = tpu.memref_slice %arg3[%add3A_154, %dma_start3A_158, %dma_start3A_159] : memref<4096x200x64xf32, #tpu.memory_space<hbm>> -> memref<4x200x64xf32, #tpu.memory_space<hbm>>
    tpu.enqueue_dma source(%arg4 : memref<4x200x64xf32, #tpu.memory_space<vmem>>) target(%dma_start3A_160 : memref<4x200x64xf32, #tpu.memory_space<hbm>>) target_semaphore(%arg5 : memref<!tpu.dma_semaphore, #tpu.memory_space<semaphore_mem>>)
    %add3A_161 = arith.constant 44 : i32
    %add3A_162 = arith.addi %mul3A_2, %add3A_161 : i32
    %dma_start3A_163 = arith.constant 0 : i32
    %dma_start3A_164 = arith.constant 0 : i32
    %dma_start3A_165 = tpu.memref_slice %arg3[%add3A_162, %dma_start3A_163, %dma_start3A_164] : memref<4096x200x64xf32, #tpu.memory_space<hbm>> -> memref<4x200x64xf32, #tpu.memory_space<hbm>>
    %dma_start3A_166 = arith.constant 0 : i32
    %dma_start3A_167 = arith.constant 0 : i32
    %dma_start3A_168 = tpu.memref_slice %arg3[%add3A_162, %dma_start3A_166, %dma_start3A_167] : memref<4096x200x64xf32, #tpu.memory_space<hbm>> -> memref<4x200x64xf32, #tpu.memory_space<hbm>>
    tpu.enqueue_dma source(%arg4 : memref<4x200x64xf32, #tpu.memory_space<vmem>>) target(%dma_start3A_168 : memref<4x200x64xf32, #tpu.memory_space<hbm>>) target_semaphore(%arg5 : memref<!tpu.dma_semaphore, #tpu.memory_space<semaphore_mem>>)
    %add3A_169 = arith.constant 48 : i32
    %add3A_170 = arith.addi %mul3A_2, %add3A_169 : i32
    %dma_start3A_171 = arith.constant 0 : i32
    %dma_start3A_172 = arith.constant 0 : i32
    %dma_start3A_173 = tpu.memref_slice %arg3[%add3A_170, %dma_start3A_171, %dma_start3A_172] : memref<4096x200x64xf32, #tpu.memory_space<hbm>> -> memref<4x200x64xf32, #tpu.memory_space<hbm>>
    %dma_start3A_174 = arith.constant 0 : i32
    %dma_start3A_175 = arith.constant 0 : i32
    %dma_start3A_176 = tpu.memref_slice %arg3[%add3A_170, %dma_start3A_174, %dma_start3A_175] : memref<4096x200x64xf32, #tpu.memory_space<hbm>> -> memref<4x200x64xf32, #tpu.memory_space<hbm>>
    tpu.enqueue_dma source(%arg4 : memref<4x200x64xf32, #tpu.memory_space<vmem>>) target(%dma_start3A_176 : memref<4x200x64xf32, #tpu.memory_space<hbm>>) target_semaphore(%arg5 : memref<!tpu.dma_semaphore, #tpu.memory_space<semaphore_mem>>)
    %add3A_177 = arith.constant 52 : i32
    %add3A_178 = arith.addi %mul3A_2, %add3A_177 : i32
    %dma_start3A_179 = arith.constant 0 : i32
    %dma_start3A_180 = arith.constant 0 : i32
    %dma_start3A_181 = tpu.memref_slice %arg3[%add3A_178, %dma_start3A_179, %dma_start3A_180] : memref<4096x200x64xf32, #tpu.memory_space<hbm>> -> memref<4x200x64xf32, #tpu.memory_space<hbm>>
    %dma_start3A_182 = arith.constant 0 : i32
    %dma_start3A_183 = arith.constant 0 : i32
    %dma_start3A_184 = tpu.memref_slice %arg3[%add3A_178, %dma_start3A_182, %dma_start3A_183] : memref<4096x200x64xf32, #tpu.memory_space<hbm>> -> memref<4x200x64xf32, #tpu.memory_space<hbm>>
    tpu.enqueue_dma source(%arg4 : memref<4x200x64xf32, #tpu.memory_space<vmem>>) target(%dma_start3A_184 : memref<4x200x64xf32, #tpu.memory_space<hbm>>) target_semaphore(%arg5 : memref<!tpu.dma_semaphore, #tpu.memory_space<semaphore_mem>>)
    %add3A_185 = arith.constant 56 : i32
    %add3A_186 = arith.addi %mul3A_2, %add3A_185 : i32
    %dma_start3A_187 = arith.constant 0 : i32
    %dma_start3A_188 = arith.constant 0 : i32
    %dma_start3A_189 = tpu.memref_slice %arg3[%add3A_186, %dma_start3A_187, %dma_start3A_188] : memref<4096x200x64xf32, #tpu.memory_space<hbm>> -> memref<4x200x64xf32, #tpu.memory_space<hbm>>
    %dma_start3A_190 = arith.constant 0 : i32
    %dma_start3A_191 = arith.constant 0 : i32
    %dma_start3A_192 = tpu.memref_slice %arg3[%add3A_186, %dma_start3A_190, %dma_start3A_191] : memref<4096x200x64xf32, #tpu.memory_space<hbm>> -> memref<4x200x64xf32, #tpu.memory_space<hbm>>
    tpu.enqueue_dma source(%arg4 : memref<4x200x64xf32, #tpu.memory_space<vmem>>) target(%dma_start3A_192 : memref<4x200x64xf32, #tpu.memory_space<hbm>>) target_semaphore(%arg5 : memref<!tpu.dma_semaphore, #tpu.memory_space<semaphore_mem>>)
    %add3A_193 = arith.constant 60 : i32
    %add3A_194 = arith.addi %mul3A_2, %add3A_193 : i32
    %dma_start3A_195 = arith.constant 0 : i32
    %dma_start3A_196 = arith.constant 0 : i32
    %dma_start3A_197 = tpu.memref_slice %arg3[%add3A_194, %dma_start3A_195, %dma_start3A_196] : memref<4096x200x64xf32, #tpu.memory_space<hbm>> -> memref<4x200x64xf32, #tpu.memory_space<hbm>>
    %dma_start3A_198 = arith.constant 0 : i32
    %dma_start3A_199 = arith.constant 0 : i32
    %dma_start3A_200 = tpu.memref_slice %arg3[%add3A_194, %dma_start3A_198, %dma_start3A_199] : memref<4096x200x64xf32, #tpu.memory_space<hbm>> -> memref<4x200x64xf32, #tpu.memory_space<hbm>>
    tpu.enqueue_dma source(%arg4 : memref<4x200x64xf32, #tpu.memory_space<vmem>>) target(%dma_start3A_200 : memref<4x200x64xf32, #tpu.memory_space<hbm>>) target_semaphore(%arg5 : memref<!tpu.dma_semaphore, #tpu.memory_space<semaphore_mem>>)
    %add3A_201 = arith.constant 64 : i32
    %add3A_202 = arith.addi %mul3A_2, %add3A_201 : i32
    %dma_start3A_203 = arith.constant 0 : i32
    %dma_start3A_204 = arith.constant 0 : i32
    %dma_start3A_205 = tpu.memref_slice %arg3[%add3A_202, %dma_start3A_203, %dma_start3A_204] : memref<4096x200x64xf32, #tpu.memory_space<hbm>> -> memref<4x200x64xf32, #tpu.memory_space<hbm>>
    %dma_start3A_206 = arith.constant 0 : i32
    %dma_start3A_207 = arith.constant 0 : i32
    %dma_start3A_208 = tpu.memref_slice %arg3[%add3A_202, %dma_start3A_206, %dma_start3A_207] : memref<4096x200x64xf32, #tpu.memory_space<hbm>> -> memref<4x200x64xf32, #tpu.memory_space<hbm>>
    tpu.enqueue_dma source(%arg4 : memref<4x200x64xf32, #tpu.memory_space<vmem>>) target(%dma_start3A_208 : memref<4x200x64xf32, #tpu.memory_space<hbm>>) target_semaphore(%arg5 : memref<!tpu.dma_semaphore, #tpu.memory_space<semaphore_mem>>)
    %add3A_209 = arith.constant 68 : i32
    %add3A_210 = arith.addi %mul3A_2, %add3A_209 : i32
    %dma_start3A_211 = arith.constant 0 : i32
    %dma_start3A_212 = arith.constant 0 : i32
    %dma_start3A_213 = tpu.memref_slice %arg3[%add3A_210, %dma_start3A_211, %dma_start3A_212] : memref<4096x200x64xf32, #tpu.memory_space<hbm>> -> memref<4x200x64xf32, #tpu.memory_space<hbm>>
    %dma_start3A_214 = arith.constant 0 : i32
    %dma_start3A_215 = arith.constant 0 : i32
    %dma_start3A_216 = tpu.memref_slice %arg3[%add3A_210, %dma_start3A_214, %dma_start3A_215] : memref<4096x200x64xf32, #tpu.memory_space<hbm>> -> memref<4x200x64xf32, #tpu.memory_space<hbm>>
    tpu.enqueue_dma source(%arg4 : memref<4x200x64xf32, #tpu.memory_space<vmem>>) target(%dma_start3A_216 : memref<4x200x64xf32, #tpu.memory_space<hbm>>) target_semaphore(%arg5 : memref<!tpu.dma_semaphore, #tpu.memory_space<semaphore_mem>>)
    %add3A_217 = arith.constant 72 : i32
    %add3A_218 = arith.addi %mul3A_2, %add3A_217 : i32
    %dma_start3A_219 = arith.constant 0 : i32
    %dma_start3A_220 = arith.constant 0 : i32
    %dma_start3A_221 = tpu.memref_slice %arg3[%add3A_218, %dma_start3A_219, %dma_start3A_220] : memref<4096x200x64xf32, #tpu.memory_space<hbm>> -> memref<4x200x64xf32, #tpu.memory_space<hbm>>
    %dma_start3A_222 = arith.constant 0 : i32
    %dma_start3A_223 = arith.constant 0 : i32
    %dma_start3A_224 = tpu.memref_slice %arg3[%add3A_218, %dma_start3A_222, %dma_start3A_223] : memref<4096x200x64xf32, #tpu.memory_space<hbm>> -> memref<4x200x64xf32, #tpu.memory_space<hbm>>
    tpu.enqueue_dma source(%arg4 : memref<4x200x64xf32, #tpu.memory_space<vmem>>) target(%dma_start3A_224 : memref<4x200x64xf32, #tpu.memory_space<hbm>>) target_semaphore(%arg5 : memref<!tpu.dma_semaphore, #tpu.memory_space<semaphore_mem>>)
    %add3A_225 = arith.constant 76 : i32
    %add3A_226 = arith.addi %mul3A_2, %add3A_225 : i32
    %dma_start3A_227 = arith.constant 0 : i32
    %dma_start3A_228 = arith.constant 0 : i32
    %dma_start3A_229 = tpu.memref_slice %arg3[%add3A_226, %dma_start3A_227, %dma_start3A_228] : memref<4096x200x64xf32, #tpu.memory_space<hbm>> -> memref<4x200x64xf32, #tpu.memory_space<hbm>>
    %dma_start3A_230 = arith.constant 0 : i32
    %dma_start3A_231 = arith.constant 0 : i32
    %dma_start3A_232 = tpu.memref_slice %arg3[%add3A_226, %dma_start3A_230, %dma_start3A_231] : memref<4096x200x64xf32, #tpu.memory_space<hbm>> -> memref<4x200x64xf32, #tpu.memory_space<hbm>>
    tpu.enqueue_dma source(%arg4 : memref<4x200x64xf32, #tpu.memory_space<vmem>>) target(%dma_start3A_232 : memref<4x200x64xf32, #tpu.memory_space<hbm>>) target_semaphore(%arg5 : memref<!tpu.dma_semaphore, #tpu.memory_space<semaphore_mem>>)
    %add3A_233 = arith.constant 80 : i32
    %add3A_234 = arith.addi %mul3A_2, %add3A_233 : i32
    %dma_start3A_235 = arith.constant 0 : i32
    %dma_start3A_236 = arith.constant 0 : i32
    %dma_start3A_237 = tpu.memref_slice %arg3[%add3A_234, %dma_start3A_235, %dma_start3A_236] : memref<4096x200x64xf32, #tpu.memory_space<hbm>> -> memref<4x200x64xf32, #tpu.memory_space<hbm>>
    %dma_start3A_238 = arith.constant 0 : i32
    %dma_start3A_239 = arith.constant 0 : i32
    %dma_start3A_240 = tpu.memref_slice %arg3[%add3A_234, %dma_start3A_238, %dma_start3A_239] : memref<4096x200x64xf32, #tpu.memory_space<hbm>> -> memref<4x200x64xf32, #tpu.memory_space<hbm>>
    tpu.enqueue_dma source(%arg4 : memref<4x200x64xf32, #tpu.memory_space<vmem>>) target(%dma_start3A_240 : memref<4x200x64xf32, #tpu.memory_space<hbm>>) target_semaphore(%arg5 : memref<!tpu.dma_semaphore, #tpu.memory_space<semaphore_mem>>)
    %add3A_241 = arith.constant 84 : i32
    %add3A_242 = arith.addi %mul3A_2, %add3A_241 : i32
    %dma_start3A_243 = arith.constant 0 : i32
    %dma_start3A_244 = arith.constant 0 : i32
    %dma_start3A_245 = tpu.memref_slice %arg3[%add3A_242, %dma_start3A_243, %dma_start3A_244] : memref<4096x200x64xf32, #tpu.memory_space<hbm>> -> memref<4x200x64xf32, #tpu.memory_space<hbm>>
    %dma_start3A_246 = arith.constant 0 : i32
    %dma_start3A_247 = arith.constant 0 : i32
    %dma_start3A_248 = tpu.memref_slice %arg3[%add3A_242, %dma_start3A_246, %dma_start3A_247] : memref<4096x200x64xf32, #tpu.memory_space<hbm>> -> memref<4x200x64xf32, #tpu.memory_space<hbm>>
    tpu.enqueue_dma source(%arg4 : memref<4x200x64xf32, #tpu.memory_space<vmem>>) target(%dma_start3A_248 : memref<4x200x64xf32, #tpu.memory_space<hbm>>) target_semaphore(%arg5 : memref<!tpu.dma_semaphore, #tpu.memory_space<semaphore_mem>>)
    %add3A_249 = arith.constant 88 : i32
    %add3A_250 = arith.addi %mul3A_2, %add3A_249 : i32
    %dma_start3A_251 = arith.constant 0 : i32
    %dma_start3A_252 = arith.constant 0 : i32
    %dma_start3A_253 = tpu.memref_slice %arg3[%add3A_250, %dma_start3A_251, %dma_start3A_252] : memref<4096x200x64xf32, #tpu.memory_space<hbm>> -> memref<4x200x64xf32, #tpu.memory_space<hbm>>
    %dma_start3A_254 = arith.constant 0 : i32
    %dma_start3A_255 = arith.constant 0 : i32
    %dma_start3A_256 = tpu.memref_slice %arg3[%add3A_250, %dma_start3A_254, %dma_start3A_255] : memref<4096x200x64xf32, #tpu.memory_space<hbm>> -> memref<4x200x64xf32, #tpu.memory_space<hbm>>
    tpu.enqueue_dma source(%arg4 : memref<4x200x64xf32, #tpu.memory_space<vmem>>) target(%dma_start3A_256 : memref<4x200x64xf32, #tpu.memory_space<hbm>>) target_semaphore(%arg5 : memref<!tpu.dma_semaphore, #tpu.memory_space<semaphore_mem>>)
    %add3A_257 = arith.constant 92 : i32
    %add3A_258 = arith.addi %mul3A_2, %add3A_257 : i32
    %dma_start3A_259 = arith.constant 0 : i32
    %dma_start3A_260 = arith.constant 0 : i32
    %dma_start3A_261 = tpu.memref_slice %arg3[%add3A_258, %dma_start3A_259, %dma_start3A_260] : memref<4096x200x64xf32, #tpu.memory_space<hbm>> -> memref<4x200x64xf32, #tpu.memory_space<hbm>>
    %dma_start3A_262 = arith.constant 0 : i32
    %dma_start3A_263 = arith.constant 0 : i32
    %dma_start3A_264 = tpu.memref_slice %arg3[%add3A_258, %dma_start3A_262, %dma_start3A_263] : memref<4096x200x64xf32, #tpu.memory_space<hbm>> -> memref<4x200x64xf32, #tpu.memory_space<hbm>>
    tpu.enqueue_dma source(%arg4 : memref<4x200x64xf32, #tpu.memory_space<vmem>>) target(%dma_start3A_264 : memref<4x200x64xf32, #tpu.memory_space<hbm>>) target_semaphore(%arg5 : memref<!tpu.dma_semaphore, #tpu.memory_space<semaphore_mem>>)
    %add3A_265 = arith.constant 96 : i32
    %add3A_266 = arith.addi %mul3A_2, %add3A_265 : i32
    %dma_start3A_267 = arith.constant 0 : i32
    %dma_start3A_268 = arith.constant 0 : i32
    %dma_start3A_269 = tpu.memref_slice %arg3[%add3A_266, %dma_start3A_267, %dma_start3A_268] : memref<4096x200x64xf32, #tpu.memory_space<hbm>> -> memref<4x200x64xf32, #tpu.memory_space<hbm>>
    %dma_start3A_270 = arith.constant 0 : i32
    %dma_start3A_271 = arith.constant 0 : i32
    %dma_start3A_272 = tpu.memref_slice %arg3[%add3A_266, %dma_start3A_270, %dma_start3A_271] : memref<4096x200x64xf32, #tpu.memory_space<hbm>> -> memref<4x200x64xf32, #tpu.memory_space<hbm>>
    tpu.enqueue_dma source(%arg4 : memref<4x200x64xf32, #tpu.memory_space<vmem>>) target(%dma_start3A_272 : memref<4x200x64xf32, #tpu.memory_space<hbm>>) target_semaphore(%arg5 : memref<!tpu.dma_semaphore, #tpu.memory_space<semaphore_mem>>)
    %add3A_273 = arith.constant 100 : i32
    %add3A_274 = arith.addi %mul3A_2, %add3A_273 : i32
    %dma_start3A_275 = arith.constant 0 : i32
    %dma_start3A_276 = arith.constant 0 : i32
    %dma_start3A_277 = tpu.memref_slice %arg3[%add3A_274, %dma_start3A_275, %dma_start3A_276] : memref<4096x200x64xf32, #tpu.memory_space<hbm>> -> memref<4x200x64xf32, #tpu.memory_space<hbm>>
    %dma_start3A_278 = arith.constant 0 : i32
    %dma_start3A_279 = arith.constant 0 : i32
    %dma_start3A_280 = tpu.memref_slice %arg3[%add3A_274, %dma_start3A_278, %dma_start3A_279] : memref<4096x200x64xf32, #tpu.memory_space<hbm>> -> memref<4x200x64xf32, #tpu.memory_space<hbm>>
    tpu.enqueue_dma source(%arg4 : memref<4x200x64xf32, #tpu.memory_space<vmem>>) target(%dma_start3A_280 : memref<4x200x64xf32, #tpu.memory_space<hbm>>) target_semaphore(%arg5 : memref<!tpu.dma_semaphore, #tpu.memory_space<semaphore_mem>>)
    %add3A_281 = arith.constant 104 : i32
    %add3A_282 = arith.addi %mul3A_2, %add3A_281 : i32
    %dma_start3A_283 = arith.constant 0 : i32
    %dma_start3A_284 = arith.constant 0 : i32
    %dma_start3A_285 = tpu.memref_slice %arg3[%add3A_282, %dma_start3A_283, %dma_start3A_284] : memref<4096x200x64xf32, #tpu.memory_space<hbm>> -> memref<4x200x64xf32, #tpu.memory_space<hbm>>
    %dma_start3A_286 = arith.constant 0 : i32
    %dma_start3A_287 = arith.constant 0 : i32
    %dma_start3A_288 = tpu.memref_slice %arg3[%add3A_282, %dma_start3A_286, %dma_start3A_287] : memref<4096x200x64xf32, #tpu.memory_space<hbm>> -> memref<4x200x64xf32, #tpu.memory_space<hbm>>
    tpu.enqueue_dma source(%arg4 : memref<4x200x64xf32, #tpu.memory_space<vmem>>) target(%dma_start3A_288 : memref<4x200x64xf32, #tpu.memory_space<hbm>>) target_semaphore(%arg5 : memref<!tpu.dma_semaphore, #tpu.memory_space<semaphore_mem>>)
    %add3A_289 = arith.constant 108 : i32
    %add3A_290 = arith.addi %mul3A_2, %add3A_289 : i32
    %dma_start3A_291 = arith.constant 0 : i32
    %dma_start3A_292 = arith.constant 0 : i32
    %dma_start3A_293 = tpu.memref_slice %arg3[%add3A_290, %dma_start3A_291, %dma_start3A_292] : memref<4096x200x64xf32, #tpu.memory_space<hbm>> -> memref<4x200x64xf32, #tpu.memory_space<hbm>>
    %dma_start3A_294 = arith.constant 0 : i32
    %dma_start3A_295 = arith.constant 0 : i32
    %dma_start3A_296 = tpu.memref_slice %arg3[%add3A_290, %dma_start3A_294, %dma_start3A_295] : memref<4096x200x64xf32, #tpu.memory_space<hbm>> -> memref<4x200x64xf32, #tpu.memory_space<hbm>>
    tpu.enqueue_dma source(%arg4 : memref<4x200x64xf32, #tpu.memory_space<vmem>>) target(%dma_start3A_296 : memref<4x200x64xf32, #tpu.memory_space<hbm>>) target_semaphore(%arg5 : memref<!tpu.dma_semaphore, #tpu.memory_space<semaphore_mem>>)
    %add3A_297 = arith.constant 112 : i32
    %add3A_298 = arith.addi %mul3A_2, %add3A_297 : i32
    %dma_start3A_299 = arith.constant 0 : i32
    %dma_start3A_300 = arith.constant 0 : i32
    %dma_start3A_301 = tpu.memref_slice %arg3[%add3A_298, %dma_start3A_299, %dma_start3A_300] : memref<4096x200x64xf32, #tpu.memory_space<hbm>> -> memref<4x200x64xf32, #tpu.memory_space<hbm>>
    %dma_start3A_302 = arith.constant 0 : i32
    %dma_start3A_303 = arith.constant 0 : i32
    %dma_start3A_304 = tpu.memref_slice %arg3[%add3A_298, %dma_start3A_302, %dma_start3A_303] : memref<4096x200x64xf32, #tpu.memory_space<hbm>> -> memref<4x200x64xf32, #tpu.memory_space<hbm>>
    tpu.enqueue_dma source(%arg4 : memref<4x200x64xf32, #tpu.memory_space<vmem>>) target(%dma_start3A_304 : memref<4x200x64xf32, #tpu.memory_space<hbm>>) target_semaphore(%arg5 : memref<!tpu.dma_semaphore, #tpu.memory_space<semaphore_mem>>)
    %add3A_305 = arith.constant 116 : i32
    %add3A_306 = arith.addi %mul3A_2, %add3A_305 : i32
    %dma_start3A_307 = arith.constant 0 : i32
    %dma_start3A_308 = arith.constant 0 : i32
    %dma_start3A_309 = tpu.memref_slice %arg3[%add3A_306, %dma_start3A_307, %dma_start3A_308] : memref<4096x200x64xf32, #tpu.memory_space<hbm>> -> memref<4x200x64xf32, #tpu.memory_space<hbm>>
    %dma_start3A_310 = arith.constant 0 : i32
    %dma_start3A_311 = arith.constant 0 : i32
    %dma_start3A_312 = tpu.memref_slice %arg3[%add3A_306, %dma_start3A_310, %dma_start3A_311] : memref<4096x200x64xf32, #tpu.memory_space<hbm>> -> memref<4x200x64xf32, #tpu.memory_space<hbm>>
    tpu.enqueue_dma source(%arg4 : memref<4x200x64xf32, #tpu.memory_space<vmem>>) target(%dma_start3A_312 : memref<4x200x64xf32, #tpu.memory_space<hbm>>) target_semaphore(%arg5 : memref<!tpu.dma_semaphore, #tpu.memory_space<semaphore_mem>>)
    %add3A_313 = arith.constant 120 : i32
    %add3A_314 = arith.addi %mul3A_2, %add3A_313 : i32
    %dma_start3A_315 = arith.constant 0 : i32
    %dma_start3A_316 = arith.constant 0 : i32
    %dma_start3A_317 = tpu.memref_slice %arg3[%add3A_314, %dma_start3A_315, %dma_start3A_316] : memref<4096x200x64xf32, #tpu.memory_space<hbm>> -> memref<4x200x64xf32, #tpu.memory_space<hbm>>
    %dma_start3A_318 = arith.constant 0 : i32
    %dma_start3A_319 = arith.constant 0 : i32
    %dma_start3A_320 = tpu.memref_slice %arg3[%add3A_314, %dma_start3A_318, %dma_start3A_319] : memref<4096x200x64xf32, #tpu.memory_space<hbm>> -> memref<4x200x64xf32, #tpu.memory_space<hbm>>
    tpu.enqueue_dma source(%arg4 : memref<4x200x64xf32, #tpu.memory_space<vmem>>) target(%dma_start3A_320 : memref<4x200x64xf32, #tpu.memory_space<hbm>>) target_semaphore(%arg5 : memref<!tpu.dma_semaphore, #tpu.memory_space<semaphore_mem>>)
    %add3A_321 = arith.constant 124 : i32
    %add3A_322 = arith.addi %mul3A_2, %add3A_321 : i32
    %dma_start3A_323 = arith.constant 0 : i32
    %dma_start3A_324 = arith.constant 0 : i32
    %dma_start3A_325 = tpu.memref_slice %arg3[%add3A_322, %dma_start3A_323, %dma_start3A_324] : memref<4096x200x64xf32, #tpu.memory_space<hbm>> -> memref<4x200x64xf32, #tpu.memory_space<hbm>>
    %dma_start3A_326 = arith.constant 0 : i32
    %dma_start3A_327 = arith.constant 0 : i32
    %dma_start3A_328 = tpu.memref_slice %arg3[%add3A_322, %dma_start3A_326, %dma_start3A_327] : memref<4096x200x64xf32, #tpu.memory_space<hbm>> -> memref<4x200x64xf32, #tpu.memory_space<hbm>>
    tpu.enqueue_dma source(%arg4 : memref<4x200x64xf32, #tpu.memory_space<vmem>>) target(%dma_start3A_328 : memref<4x200x64xf32, #tpu.memory_space<hbm>>) target_semaphore(%arg5 : memref<!tpu.dma_semaphore, #tpu.memory_space<semaphore_mem>>)
    %dma_wait3A_329 = arith.constant 0 : i32
    %dma_wait3A_330 = arith.constant 0 : i32
    %dma_wait3A_331 = tpu.memref_slice %arg3[%add3A_74, %dma_wait3A_329, %dma_wait3A_330] : memref<4096x200x64xf32, #tpu.memory_space<hbm>> -> memref<4x200x64xf32, #tpu.memory_space<hbm>>
    %dma_wait3A_332 = arith.constant 0 : i32
    %dma_wait3A_333 = arith.constant 0 : i32
    %dma_wait3A_334 = tpu.memref_slice %arg3[%add3A_74, %dma_wait3A_332, %dma_wait3A_333] : memref<4096x200x64xf32, #tpu.memory_space<hbm>> -> memref<4x200x64xf32, #tpu.memory_space<hbm>>
    tpu.wait_dma2 semaphore(%arg5 : memref<!tpu.dma_semaphore, #tpu.memory_space<semaphore_mem>>) src(%arg4 : memref<4x200x64xf32, #tpu.memory_space<vmem>>) dst(%dma_wait3A_334 : memref<4x200x64xf32, #tpu.memory_space<hbm>>)
    %dma_wait3A_335 = arith.constant 0 : i32
    %dma_wait3A_336 = arith.constant 0 : i32
    %dma_wait3A_337 = tpu.memref_slice %arg3[%add3A_82, %dma_wait3A_335, %dma_wait3A_336] : memref<4096x200x64xf32, #tpu.memory_space<hbm>> -> memref<4x200x64xf32, #tpu.memory_space<hbm>>
    %dma_wait3A_338 = arith.constant 0 : i32
    %dma_wait3A_339 = arith.constant 0 : i32
    %dma_wait3A_340 = tpu.memref_slice %arg3[%add3A_82, %dma_wait3A_338, %dma_wait3A_339] : memref<4096x200x64xf32, #tpu.memory_space<hbm>> -> memref<4x200x64xf32, #tpu.memory_space<hbm>>
    tpu.wait_dma2 semaphore(%arg5 : memref<!tpu.dma_semaphore, #tpu.memory_space<semaphore_mem>>) src(%arg4 : memref<4x200x64xf32, #tpu.memory_space<vmem>>) dst(%dma_wait3A_340 : memref<4x200x64xf32, #tpu.memory_space<hbm>>)
    %dma_wait3A_341 = arith.constant 0 : i32
    %dma_wait3A_342 = arith.constant 0 : i32
    %dma_wait3A_343 = tpu.memref_slice %arg3[%add3A_90, %dma_wait3A_341, %dma_wait3A_342] : memref<4096x200x64xf32, #tpu.memory_space<hbm>> -> memref<4x200x64xf32, #tpu.memory_space<hbm>>
    %dma_wait3A_344 = arith.constant 0 : i32
    %dma_wait3A_345 = arith.constant 0 : i32
    %dma_wait3A_346 = tpu.memref_slice %arg3[%add3A_90, %dma_wait3A_344, %dma_wait3A_345] : memref<4096x200x64xf32, #tpu.memory_space<hbm>> -> memref<4x200x64xf32, #tpu.memory_space<hbm>>
    tpu.wait_dma2 semaphore(%arg5 : memref<!tpu.dma_semaphore, #tpu.memory_space<semaphore_mem>>) src(%arg4 : memref<4x200x64xf32, #tpu.memory_space<vmem>>) dst(%dma_wait3A_346 : memref<4x200x64xf32, #tpu.memory_space<hbm>>)
    %dma_wait3A_347 = arith.constant 0 : i32
    %dma_wait3A_348 = arith.constant 0 : i32
    %dma_wait3A_349 = tpu.memref_slice %arg3[%add3A_98, %dma_wait3A_347, %dma_wait3A_348] : memref<4096x200x64xf32, #tpu.memory_space<hbm>> -> memref<4x200x64xf32, #tpu.memory_space<hbm>>
    %dma_wait3A_350 = arith.constant 0 : i32
    %dma_wait3A_351 = arith.constant 0 : i32
    %dma_wait3A_352 = tpu.memref_slice %arg3[%add3A_98, %dma_wait3A_350, %dma_wait3A_351] : memref<4096x200x64xf32, #tpu.memory_space<hbm>> -> memref<4x200x64xf32, #tpu.memory_space<hbm>>
    tpu.wait_dma2 semaphore(%arg5 : memref<!tpu.dma_semaphore, #tpu.memory_space<semaphore_mem>>) src(%arg4 : memref<4x200x64xf32, #tpu.memory_space<vmem>>) dst(%dma_wait3A_352 : memref<4x200x64xf32, #tpu.memory_space<hbm>>)
    %dma_wait3A_353 = arith.constant 0 : i32
    %dma_wait3A_354 = arith.constant 0 : i32
    %dma_wait3A_355 = tpu.memref_slice %arg3[%add3A_106, %dma_wait3A_353, %dma_wait3A_354] : memref<4096x200x64xf32, #tpu.memory_space<hbm>> -> memref<4x200x64xf32, #tpu.memory_space<hbm>>
    %dma_wait3A_356 = arith.constant 0 : i32
    %dma_wait3A_357 = arith.constant 0 : i32
    %dma_wait3A_358 = tpu.memref_slice %arg3[%add3A_106, %dma_wait3A_356, %dma_wait3A_357] : memref<4096x200x64xf32, #tpu.memory_space<hbm>> -> memref<4x200x64xf32, #tpu.memory_space<hbm>>
    tpu.wait_dma2 semaphore(%arg5 : memref<!tpu.dma_semaphore, #tpu.memory_space<semaphore_mem>>) src(%arg4 : memref<4x200x64xf32, #tpu.memory_space<vmem>>) dst(%dma_wait3A_358 : memref<4x200x64xf32, #tpu.memory_space<hbm>>)
    %dma_wait3A_359 = arith.constant 0 : i32
    %dma_wait3A_360 = arith.constant 0 : i32
    %dma_wait3A_361 = tpu.memref_slice %arg3[%add3A_114, %dma_wait3A_359, %dma_wait3A_360] : memref<4096x200x64xf32, #tpu.memory_space<hbm>> -> memref<4x200x64xf32, #tpu.memory_space<hbm>>
    %dma_wait3A_362 = arith.constant 0 : i32
    %dma_wait3A_363 = arith.constant 0 : i32
    %dma_wait3A_364 = tpu.memref_slice %arg3[%add3A_114, %dma_wait3A_362, %dma_wait3A_363] : memref<4096x200x64xf32, #tpu.memory_space<hbm>> -> memref<4x200x64xf32, #tpu.memory_space<hbm>>
    tpu.wait_dma2 semaphore(%arg5 : memref<!tpu.dma_semaphore, #tpu.memory_space<semaphore_mem>>) src(%arg4 : memref<4x200x64xf32, #tpu.memory_space<vmem>>) dst(%dma_wait3A_364 : memref<4x200x64xf32, #tpu.memory_space<hbm>>)
    %dma_wait3A_365 = arith.constant 0 : i32
    %dma_wait3A_366 = arith.constant 0 : i32
    %dma_wait3A_367 = tpu.memref_slice %arg3[%add3A_122, %dma_wait3A_365, %dma_wait3A_366] : memref<4096x200x64xf32, #tpu.memory_space<hbm>> -> memref<4x200x64xf32, #tpu.memory_space<hbm>>
    %dma_wait3A_368 = arith.constant 0 : i32
    %dma_wait3A_369 = arith.constant 0 : i32
    %dma_wait3A_370 = tpu.memref_slice %arg3[%add3A_122, %dma_wait3A_368, %dma_wait3A_369] : memref<4096x200x64xf32, #tpu.memory_space<hbm>> -> memref<4x200x64xf32, #tpu.memory_space<hbm>>
    tpu.wait_dma2 semaphore(%arg5 : memref<!tpu.dma_semaphore, #tpu.memory_space<semaphore_mem>>) src(%arg4 : memref<4x200x64xf32, #tpu.memory_space<vmem>>) dst(%dma_wait3A_370 : memref<4x200x64xf32, #tpu.memory_space<hbm>>)
    %dma_wait3A_371 = arith.constant 0 : i32
    %dma_wait3A_372 = arith.constant 0 : i32
    %dma_wait3A_373 = tpu.memref_slice %arg3[%add3A_130, %dma_wait3A_371, %dma_wait3A_372] : memref<4096x200x64xf32, #tpu.memory_space<hbm>> -> memref<4x200x64xf32, #tpu.memory_space<hbm>>
    %dma_wait3A_374 = arith.constant 0 : i32
    %dma_wait3A_375 = arith.constant 0 : i32
    %dma_wait3A_376 = tpu.memref_slice %arg3[%add3A_130, %dma_wait3A_374, %dma_wait3A_375] : memref<4096x200x64xf32, #tpu.memory_space<hbm>> -> memref<4x200x64xf32, #tpu.memory_space<hbm>>
    tpu.wait_dma2 semaphore(%arg5 : memref<!tpu.dma_semaphore, #tpu.memory_space<semaphore_mem>>) src(%arg4 : memref<4x200x64xf32, #tpu.memory_space<vmem>>) dst(%dma_wait3A_376 : memref<4x200x64xf32, #tpu.memory_space<hbm>>)
    %dma_wait3A_377 = arith.constant 0 : i32
    %dma_wait3A_378 = arith.constant 0 : i32
    %dma_wait3A_379 = tpu.memref_slice %arg3[%add3A_138, %dma_wait3A_377, %dma_wait3A_378] : memref<4096x200x64xf32, #tpu.memory_space<hbm>> -> memref<4x200x64xf32, #tpu.memory_space<hbm>>
    %dma_wait3A_380 = arith.constant 0 : i32
    %dma_wait3A_381 = arith.constant 0 : i32
    %dma_wait3A_382 = tpu.memref_slice %arg3[%add3A_138, %dma_wait3A_380, %dma_wait3A_381] : memref<4096x200x64xf32, #tpu.memory_space<hbm>> -> memref<4x200x64xf32, #tpu.memory_space<hbm>>
    tpu.wait_dma2 semaphore(%arg5 : memref<!tpu.dma_semaphore, #tpu.memory_space<semaphore_mem>>) src(%arg4 : memref<4x200x64xf32, #tpu.memory_space<vmem>>) dst(%dma_wait3A_382 : memref<4x200x64xf32, #tpu.memory_space<hbm>>)
    %dma_wait3A_383 = arith.constant 0 : i32
    %dma_wait3A_384 = arith.constant 0 : i32
    %dma_wait3A_385 = tpu.memref_slice %arg3[%add3A_146, %dma_wait3A_383, %dma_wait3A_384] : memref<4096x200x64xf32, #tpu.memory_space<hbm>> -> memref<4x200x64xf32, #tpu.memory_space<hbm>>
    %dma_wait3A_386 = arith.constant 0 : i32
    %dma_wait3A_387 = arith.constant 0 : i32
    %dma_wait3A_388 = tpu.memref_slice %arg3[%add3A_146, %dma_wait3A_386, %dma_wait3A_387] : memref<4096x200x64xf32, #tpu.memory_space<hbm>> -> memref<4x200x64xf32, #tpu.memory_space<hbm>>
    tpu.wait_dma2 semaphore(%arg5 : memref<!tpu.dma_semaphore, #tpu.memory_space<semaphore_mem>>) src(%arg4 : memref<4x200x64xf32, #tpu.memory_space<vmem>>) dst(%dma_wait3A_388 : memref<4x200x64xf32, #tpu.memory_space<hbm>>)
    %dma_wait3A_389 = arith.constant 0 : i32
    %dma_wait3A_390 = arith.constant 0 : i32
    %dma_wait3A_391 = tpu.memref_slice %arg3[%add3A_154, %dma_wait3A_389, %dma_wait3A_390] : memref<4096x200x64xf32, #tpu.memory_space<hbm>> -> memref<4x200x64xf32, #tpu.memory_space<hbm>>
    %dma_wait3A_392 = arith.constant 0 : i32
    %dma_wait3A_393 = arith.constant 0 : i32
    %dma_wait3A_394 = tpu.memref_slice %arg3[%add3A_154, %dma_wait3A_392, %dma_wait3A_393] : memref<4096x200x64xf32, #tpu.memory_space<hbm>> -> memref<4x200x64xf32, #tpu.memory_space<hbm>>
    tpu.wait_dma2 semaphore(%arg5 : memref<!tpu.dma_semaphore, #tpu.memory_space<semaphore_mem>>) src(%arg4 : memref<4x200x64xf32, #tpu.memory_space<vmem>>) dst(%dma_wait3A_394 : memref<4x200x64xf32, #tpu.memory_space<hbm>>)
    %dma_wait3A_395 = arith.constant 0 : i32
    %dma_wait3A_396 = arith.constant 0 : i32
    %dma_wait3A_397 = tpu.memref_slice %arg3[%add3A_162, %dma_wait3A_395, %dma_wait3A_396] : memref<4096x200x64xf32, #tpu.memory_space<hbm>> -> memref<4x200x64xf32, #tpu.memory_space<hbm>>
    %dma_wait3A_398 = arith.constant 0 : i32
    %dma_wait3A_399 = arith.constant 0 : i32
    %dma_wait3A_400 = tpu.memref_slice %arg3[%add3A_162, %dma_wait3A_398, %dma_wait3A_399] : memref<4096x200x64xf32, #tpu.memory_space<hbm>> -> memref<4x200x64xf32, #tpu.memory_space<hbm>>
    tpu.wait_dma2 semaphore(%arg5 : memref<!tpu.dma_semaphore, #tpu.memory_space<semaphore_mem>>) src(%arg4 : memref<4x200x64xf32, #tpu.memory_space<vmem>>) dst(%dma_wait3A_400 : memref<4x200x64xf32, #tpu.memory_space<hbm>>)
    %dma_wait3A_401 = arith.constant 0 : i32
    %dma_wait3A_402 = arith.constant 0 : i32
    %dma_wait3A_403 = tpu.memref_slice %arg3[%add3A_170, %dma_wait3A_401, %dma_wait3A_402] : memref<4096x200x64xf32, #tpu.memory_space<hbm>> -> memref<4x200x64xf32, #tpu.memory_space<hbm>>
    %dma_wait3A_404 = arith.constant 0 : i32
    %dma_wait3A_405 = arith.constant 0 : i32
    %dma_wait3A_406 = tpu.memref_slice %arg3[%add3A_170, %dma_wait3A_404, %dma_wait3A_405] : memref<4096x200x64xf32, #tpu.memory_space<hbm>> -> memref<4x200x64xf32, #tpu.memory_space<hbm>>
    tpu.wait_dma2 semaphore(%arg5 : memref<!tpu.dma_semaphore, #tpu.memory_space<semaphore_mem>>) src(%arg4 : memref<4x200x64xf32, #tpu.memory_space<vmem>>) dst(%dma_wait3A_406 : memref<4x200x64xf32, #tpu.memory_space<hbm>>)
    %dma_wait3A_407 = arith.constant 0 : i32
    %dma_wait3A_408 = arith.constant 0 : i32
    %dma_wait3A_409 = tpu.memref_slice %arg3[%add3A_178, %dma_wait3A_407, %dma_wait3A_408] : memref<4096x200x64xf32, #tpu.memory_space<hbm>> -> memref<4x200x64xf32, #tpu.memory_space<hbm>>
    %dma_wait3A_410 = arith.constant 0 : i32
    %dma_wait3A_411 = arith.constant 0 : i32
    %dma_wait3A_412 = tpu.memref_slice %arg3[%add3A_178, %dma_wait3A_410, %dma_wait3A_411] : memref<4096x200x64xf32, #tpu.memory_space<hbm>> -> memref<4x200x64xf32, #tpu.memory_space<hbm>>
    tpu.wait_dma2 semaphore(%arg5 : memref<!tpu.dma_semaphore, #tpu.memory_space<semaphore_mem>>) src(%arg4 : memref<4x200x64xf32, #tpu.memory_space<vmem>>) dst(%dma_wait3A_412 : memref<4x200x64xf32, #tpu.memory_space<hbm>>)
    %dma_wait3A_413 = arith.constant 0 : i32
    %dma_wait3A_414 = arith.constant 0 : i32
    %dma_wait3A_415 = tpu.memref_slice %arg3[%add3A_186, %dma_wait3A_413, %dma_wait3A_414] : memref<4096x200x64xf32, #tpu.memory_space<hbm>> -> memref<4x200x64xf32, #tpu.memory_space<hbm>>
    %dma_wait3A_416 = arith.constant 0 : i32
    %dma_wait3A_417 = arith.constant 0 : i32
    %dma_wait3A_418 = tpu.memref_slice %arg3[%add3A_186, %dma_wait3A_416, %dma_wait3A_417] : memref<4096x200x64xf32, #tpu.memory_space<hbm>> -> memref<4x200x64xf32, #tpu.memory_space<hbm>>
    tpu.wait_dma2 semaphore(%arg5 : memref<!tpu.dma_semaphore, #tpu.memory_space<semaphore_mem>>) src(%arg4 : memref<4x200x64xf32, #tpu.memory_space<vmem>>) dst(%dma_wait3A_418 : memref<4x200x64xf32, #tpu.memory_space<hbm>>)
    %dma_wait3A_419 = arith.constant 0 : i32
    %dma_wait3A_420 = arith.constant 0 : i32
    %dma_wait3A_421 = tpu.memref_slice %arg3[%add3A_194, %dma_wait3A_419, %dma_wait3A_420] : memref<4096x200x64xf32, #tpu.memory_space<hbm>> -> memref<4x200x64xf32, #tpu.memory_space<hbm>>
    %dma_wait3A_422 = arith.constant 0 : i32
    %dma_wait3A_423 = arith.constant 0 : i32
    %dma_wait3A_424 = tpu.memref_slice %arg3[%add3A_194, %dma_wait3A_422, %dma_wait3A_423] : memref<4096x200x64xf32, #tpu.memory_space<hbm>> -> memref<4x200x64xf32, #tpu.memory_space<hbm>>
    tpu.wait_dma2 semaphore(%arg5 : memref<!tpu.dma_semaphore, #tpu.memory_space<semaphore_mem>>) src(%arg4 : memref<4x200x64xf32, #tpu.memory_space<vmem>>) dst(%dma_wait3A_424 : memref<4x200x64xf32, #tpu.memory_space<hbm>>)
    %dma_wait3A_425 = arith.constant 0 : i32
    %dma_wait3A_426 = arith.constant 0 : i32
    %dma_wait3A_427 = tpu.memref_slice %arg3[%add3A_202, %dma_wait3A_425, %dma_wait3A_426] : memref<4096x200x64xf32, #tpu.memory_space<hbm>> -> memref<4x200x64xf32, #tpu.memory_space<hbm>>
    %dma_wait3A_428 = arith.constant 0 : i32
    %dma_wait3A_429 = arith.constant 0 : i32
    %dma_wait3A_430 = tpu.memref_slice %arg3[%add3A_202, %dma_wait3A_428, %dma_wait3A_429] : memref<4096x200x64xf32, #tpu.memory_space<hbm>> -> memref<4x200x64xf32, #tpu.memory_space<hbm>>
    tpu.wait_dma2 semaphore(%arg5 : memref<!tpu.dma_semaphore, #tpu.memory_space<semaphore_mem>>) src(%arg4 : memref<4x200x64xf32, #tpu.memory_space<vmem>>) dst(%dma_wait3A_430 : memref<4x200x64xf32, #tpu.memory_space<hbm>>)
    %dma_wait3A_431 = arith.constant 0 : i32
    %dma_wait3A_432 = arith.constant 0 : i32
    %dma_wait3A_433 = tpu.memref_slice %arg3[%add3A_210, %dma_wait3A_431, %dma_wait3A_432] : memref<4096x200x64xf32, #tpu.memory_space<hbm>> -> memref<4x200x64xf32, #tpu.memory_space<hbm>>
    %dma_wait3A_434 = arith.constant 0 : i32
    %dma_wait3A_435 = arith.constant 0 : i32
    %dma_wait3A_436 = tpu.memref_slice %arg3[%add3A_210, %dma_wait3A_434, %dma_wait3A_435] : memref<4096x200x64xf32, #tpu.memory_space<hbm>> -> memref<4x200x64xf32, #tpu.memory_space<hbm>>
    tpu.wait_dma2 semaphore(%arg5 : memref<!tpu.dma_semaphore, #tpu.memory_space<semaphore_mem>>) src(%arg4 : memref<4x200x64xf32, #tpu.memory_space<vmem>>) dst(%dma_wait3A_436 : memref<4x200x64xf32, #tpu.memory_space<hbm>>)
    %dma_wait3A_437 = arith.constant 0 : i32
    %dma_wait3A_438 = arith.constant 0 : i32
    %dma_wait3A_439 = tpu.memref_slice %arg3[%add3A_218, %dma_wait3A_437, %dma_wait3A_438] : memref<4096x200x64xf32, #tpu.memory_space<hbm>> -> memref<4x200x64xf32, #tpu.memory_space<hbm>>
    %dma_wait3A_440 = arith.constant 0 : i32
    %dma_wait3A_441 = arith.constant 0 : i32
    %dma_wait3A_442 = tpu.memref_slice %arg3[%add3A_218, %dma_wait3A_440, %dma_wait3A_441] : memref<4096x200x64xf32, #tpu.memory_space<hbm>> -> memref<4x200x64xf32, #tpu.memory_space<hbm>>
    tpu.wait_dma2 semaphore(%arg5 : memref<!tpu.dma_semaphore, #tpu.memory_space<semaphore_mem>>) src(%arg4 : memref<4x200x64xf32, #tpu.memory_space<vmem>>) dst(%dma_wait3A_442 : memref<4x200x64xf32, #tpu.memory_space<hbm>>)
    %dma_wait3A_443 = arith.constant 0 : i32
    %dma_wait3A_444 = arith.constant 0 : i32
    %dma_wait3A_445 = tpu.memref_slice %arg3[%add3A_226, %dma_wait3A_443, %dma_wait3A_444] : memref<4096x200x64xf32, #tpu.memory_space<hbm>> -> memref<4x200x64xf32, #tpu.memory_space<hbm>>
    %dma_wait3A_446 = arith.constant 0 : i32
    %dma_wait3A_447 = arith.constant 0 : i32
    %dma_wait3A_448 = tpu.memref_slice %arg3[%add3A_226, %dma_wait3A_446, %dma_wait3A_447] : memref<4096x200x64xf32, #tpu.memory_space<hbm>> -> memref<4x200x64xf32, #tpu.memory_space<hbm>>
    tpu.wait_dma2 semaphore(%arg5 : memref<!tpu.dma_semaphore, #tpu.memory_space<semaphore_mem>>) src(%arg4 : memref<4x200x64xf32, #tpu.memory_space<vmem>>) dst(%dma_wait3A_448 : memref<4x200x64xf32, #tpu.memory_space<hbm>>)
    %dma_wait3A_449 = arith.constant 0 : i32
    %dma_wait3A_450 = arith.constant 0 : i32
    %dma_wait3A_451 = tpu.memref_slice %arg3[%add3A_234, %dma_wait3A_449, %dma_wait3A_450] : memref<4096x200x64xf32, #tpu.memory_space<hbm>> -> memref<4x200x64xf32, #tpu.memory_space<hbm>>
    %dma_wait3A_452 = arith.constant 0 : i32
    %dma_wait3A_453 = arith.constant 0 : i32
    %dma_wait3A_454 = tpu.memref_slice %arg3[%add3A_234, %dma_wait3A_452, %dma_wait3A_453] : memref<4096x200x64xf32, #tpu.memory_space<hbm>> -> memref<4x200x64xf32, #tpu.memory_space<hbm>>
    tpu.wait_dma2 semaphore(%arg5 : memref<!tpu.dma_semaphore, #tpu.memory_space<semaphore_mem>>) src(%arg4 : memref<4x200x64xf32, #tpu.memory_space<vmem>>) dst(%dma_wait3A_454 : memref<4x200x64xf32, #tpu.memory_space<hbm>>)
    %dma_wait3A_455 = arith.constant 0 : i32
    %dma_wait3A_456 = arith.constant 0 : i32
    %dma_wait3A_457 = tpu.memref_slice %arg3[%add3A_242, %dma_wait3A_455, %dma_wait3A_456] : memref<4096x200x64xf32, #tpu.memory_space<hbm>> -> memref<4x200x64xf32, #tpu.memory_space<hbm>>
    %dma_wait3A_458 = arith.constant 0 : i32
    %dma_wait3A_459 = arith.constant 0 : i32
    %dma_wait3A_460 = tpu.memref_slice %arg3[%add3A_242, %dma_wait3A_458, %dma_wait3A_459] : memref<4096x200x64xf32, #tpu.memory_space<hbm>> -> memref<4x200x64xf32, #tpu.memory_space<hbm>>
    tpu.wait_dma2 semaphore(%arg5 : memref<!tpu.dma_semaphore, #tpu.memory_space<semaphore_mem>>) src(%arg4 : memref<4x200x64xf32, #tpu.memory_space<vmem>>) dst(%dma_wait3A_460 : memref<4x200x64xf32, #tpu.memory_space<hbm>>)
    %dma_wait3A_461 = arith.constant 0 : i32
    %dma_wait3A_462 = arith.constant 0 : i32
    %dma_wait3A_463 = tpu.memref_slice %arg3[%add3A_250, %dma_wait3A_461, %dma_wait3A_462] : memref<4096x200x64xf32, #tpu.memory_space<hbm>> -> memref<4x200x64xf32, #tpu.memory_space<hbm>>
    %dma_wait3A_464 = arith.constant 0 : i32
    %dma_wait3A_465 = arith.constant 0 : i32
    %dma_wait3A_466 = tpu.memref_slice %arg3[%add3A_250, %dma_wait3A_464, %dma_wait3A_465] : memref<4096x200x64xf32, #tpu.memory_space<hbm>> -> memref<4x200x64xf32, #tpu.memory_space<hbm>>
    tpu.wait_dma2 semaphore(%arg5 : memref<!tpu.dma_semaphore, #tpu.memory_space<semaphore_mem>>) src(%arg4 : memref<4x200x64xf32, #tpu.memory_space<vmem>>) dst(%dma_wait3A_466 : memref<4x200x64xf32, #tpu.memory_space<hbm>>)
    %dma_wait3A_467 = arith.constant 0 : i32
    %dma_wait3A_468 = arith.constant 0 : i32
    %dma_wait3A_469 = tpu.memref_slice %arg3[%add3A_258, %dma_wait3A_467, %dma_wait3A_468] : memref<4096x200x64xf32, #tpu.memory_space<hbm>> -> memref<4x200x64xf32, #tpu.memory_space<hbm>>
    %dma_wait3A_470 = arith.constant 0 : i32
    %dma_wait3A_471 = arith.constant 0 : i32
    %dma_wait3A_472 = tpu.memref_slice %arg3[%add3A_258, %dma_wait3A_470, %dma_wait3A_471] : memref<4096x200x64xf32, #tpu.memory_space<hbm>> -> memref<4x200x64xf32, #tpu.memory_space<hbm>>
    tpu.wait_dma2 semaphore(%arg5 : memref<!tpu.dma_semaphore, #tpu.memory_space<semaphore_mem>>) src(%arg4 : memref<4x200x64xf32, #tpu.memory_space<vmem>>) dst(%dma_wait3A_472 : memref<4x200x64xf32, #tpu.memory_space<hbm>>)
    %dma_wait3A_473 = arith.constant 0 : i32
    %dma_wait3A_474 = arith.constant 0 : i32
    %dma_wait3A_475 = tpu.memref_slice %arg3[%add3A_266, %dma_wait3A_473, %dma_wait3A_474] : memref<4096x200x64xf32, #tpu.memory_space<hbm>> -> memref<4x200x64xf32, #tpu.memory_space<hbm>>
    %dma_wait3A_476 = arith.constant 0 : i32
    %dma_wait3A_477 = arith.constant 0 : i32
    %dma_wait3A_478 = tpu.memref_slice %arg3[%add3A_266, %dma_wait3A_476, %dma_wait3A_477] : memref<4096x200x64xf32, #tpu.memory_space<hbm>> -> memref<4x200x64xf32, #tpu.memory_space<hbm>>
    tpu.wait_dma2 semaphore(%arg5 : memref<!tpu.dma_semaphore, #tpu.memory_space<semaphore_mem>>) src(%arg4 : memref<4x200x64xf32, #tpu.memory_space<vmem>>) dst(%dma_wait3A_478 : memref<4x200x64xf32, #tpu.memory_space<hbm>>)
    %dma_wait3A_479 = arith.constant 0 : i32
    %dma_wait3A_480 = arith.constant 0 : i32
    %dma_wait3A_481 = tpu.memref_slice %arg3[%add3A_274, %dma_wait3A_479, %dma_wait3A_480] : memref<4096x200x64xf32, #tpu.memory_space<hbm>> -> memref<4x200x64xf32, #tpu.memory_space<hbm>>
    %dma_wait3A_482 = arith.constant 0 : i32
    %dma_wait3A_483 = arith.constant 0 : i32
    %dma_wait3A_484 = tpu.memref_slice %arg3[%add3A_274, %dma_wait3A_482, %dma_wait3A_483] : memref<4096x200x64xf32, #tpu.memory_space<hbm>> -> memref<4x200x64xf32, #tpu.memory_space<hbm>>
    tpu.wait_dma2 semaphore(%arg5 : memref<!tpu.dma_semaphore, #tpu.memory_space<semaphore_mem>>) src(%arg4 : memref<4x200x64xf32, #tpu.memory_space<vmem>>) dst(%dma_wait3A_484 : memref<4x200x64xf32, #tpu.memory_space<hbm>>)
    %dma_wait3A_485 = arith.constant 0 : i32
    %dma_wait3A_486 = arith.constant 0 : i32
    %dma_wait3A_487 = tpu.memref_slice %arg3[%add3A_282, %dma_wait3A_485, %dma_wait3A_486] : memref<4096x200x64xf32, #tpu.memory_space<hbm>> -> memref<4x200x64xf32, #tpu.memory_space<hbm>>
    %dma_wait3A_488 = arith.constant 0 : i32
    %dma_wait3A_489 = arith.constant 0 : i32
    %dma_wait3A_490 = tpu.memref_slice %arg3[%add3A_282, %dma_wait3A_488, %dma_wait3A_489] : memref<4096x200x64xf32, #tpu.memory_space<hbm>> -> memref<4x200x64xf32, #tpu.memory_space<hbm>>
    tpu.wait_dma2 semaphore(%arg5 : memref<!tpu.dma_semaphore, #tpu.memory_space<semaphore_mem>>) src(%arg4 : memref<4x200x64xf32, #tpu.memory_space<vmem>>) dst(%dma_wait3A_490 : memref<4x200x64xf32, #tpu.memory_space<hbm>>)
    %dma_wait3A_491 = arith.constant 0 : i32
    %dma_wait3A_492 = arith.constant 0 : i32
    %dma_wait3A_493 = tpu.memref_slice %arg3[%add3A_290, %dma_wait3A_491, %dma_wait3A_492] : memref<4096x200x64xf32, #tpu.memory_space<hbm>> -> memref<4x200x64xf32, #tpu.memory_space<hbm>>
    %dma_wait3A_494 = arith.constant 0 : i32
    %dma_wait3A_495 = arith.constant 0 : i32
    %dma_wait3A_496 = tpu.memref_slice %arg3[%add3A_290, %dma_wait3A_494, %dma_wait3A_495] : memref<4096x200x64xf32, #tpu.memory_space<hbm>> -> memref<4x200x64xf32, #tpu.memory_space<hbm>>
    tpu.wait_dma2 semaphore(%arg5 : memref<!tpu.dma_semaphore, #tpu.memory_space<semaphore_mem>>) src(%arg4 : memref<4x200x64xf32, #tpu.memory_space<vmem>>) dst(%dma_wait3A_496 : memref<4x200x64xf32, #tpu.memory_space<hbm>>)
    %dma_wait3A_497 = arith.constant 0 : i32
    %dma_wait3A_498 = arith.constant 0 : i32
    %dma_wait3A_499 = tpu.memref_slice %arg3[%add3A_298, %dma_wait3A_497, %dma_wait3A_498] : memref<4096x200x64xf32, #tpu.memory_space<hbm>> -> memref<4x200x64xf32, #tpu.memory_space<hbm>>
    %dma_wait3A_500 = arith.constant 0 : i32
    %dma_wait3A_501 = arith.constant 0 : i32
    %dma_wait3A_502 = tpu.memref_slice %arg3[%add3A_298, %dma_wait3A_500, %dma_wait3A_501] : memref<4096x200x64xf32, #tpu.memory_space<hbm>> -> memref<4x200x64xf32, #tpu.memory_space<hbm>>
    tpu.wait_dma2 semaphore(%arg5 : memref<!tpu.dma_semaphore, #tpu.memory_space<semaphore_mem>>) src(%arg4 : memref<4x200x64xf32, #tpu.memory_space<vmem>>) dst(%dma_wait3A_502 : memref<4x200x64xf32, #tpu.memory_space<hbm>>)
    %dma_wait3A_503 = arith.constant 0 : i32
    %dma_wait3A_504 = arith.constant 0 : i32
    %dma_wait3A_505 = tpu.memref_slice %arg3[%add3A_306, %dma_wait3A_503, %dma_wait3A_504] : memref<4096x200x64xf32, #tpu.memory_space<hbm>> -> memref<4x200x64xf32, #tpu.memory_space<hbm>>
    %dma_wait3A_506 = arith.constant 0 : i32
    %dma_wait3A_507 = arith.constant 0 : i32
    %dma_wait3A_508 = tpu.memref_slice %arg3[%add3A_306, %dma_wait3A_506, %dma_wait3A_507] : memref<4096x200x64xf32, #tpu.memory_space<hbm>> -> memref<4x200x64xf32, #tpu.memory_space<hbm>>
    tpu.wait_dma2 semaphore(%arg5 : memref<!tpu.dma_semaphore, #tpu.memory_space<semaphore_mem>>) src(%arg4 : memref<4x200x64xf32, #tpu.memory_space<vmem>>) dst(%dma_wait3A_508 : memref<4x200x64xf32, #tpu.memory_space<hbm>>)
    %dma_wait3A_509 = arith.constant 0 : i32
    %dma_wait3A_510 = arith.constant 0 : i32
    %dma_wait3A_511 = tpu.memref_slice %arg3[%add3A_314, %dma_wait3A_509, %dma_wait3A_510] : memref<4096x200x64xf32, #tpu.memory_space<hbm>> -> memref<4x200x64xf32, #tpu.memory_space<hbm>>
    %dma_wait3A_512 = arith.constant 0 : i32
    %dma_wait3A_513 = arith.constant 0 : i32
    %dma_wait3A_514 = tpu.memref_slice %arg3[%add3A_314, %dma_wait3A_512, %dma_wait3A_513] : memref<4096x200x64xf32, #tpu.memory_space<hbm>> -> memref<4x200x64xf32, #tpu.memory_space<hbm>>
    tpu.wait_dma2 semaphore(%arg5 : memref<!tpu.dma_semaphore, #tpu.memory_space<semaphore_mem>>) src(%arg4 : memref<4x200x64xf32, #tpu.memory_space<vmem>>) dst(%dma_wait3A_514 : memref<4x200x64xf32, #tpu.memory_space<hbm>>)
    %dma_wait3A_515 = arith.constant 0 : i32
    %dma_wait3A_516 = arith.constant 0 : i32
    %dma_wait3A_517 = tpu.memref_slice %arg3[%add3A_322, %dma_wait3A_515, %dma_wait3A_516] : memref<4096x200x64xf32, #tpu.memory_space<hbm>> -> memref<4x200x64xf32, #tpu.memory_space<hbm>>
    %dma_wait3A_518 = arith.constant 0 : i32
    %dma_wait3A_519 = arith.constant 0 : i32
    %dma_wait3A_520 = tpu.memref_slice %arg3[%add3A_322, %dma_wait3A_518, %dma_wait3A_519] : memref<4096x200x64xf32, #tpu.memory_space<hbm>> -> memref<4x200x64xf32, #tpu.memory_space<hbm>>
    tpu.wait_dma2 semaphore(%arg5 : memref<!tpu.dma_semaphore, #tpu.memory_space<semaphore_mem>>) src(%arg4 : memref<4x200x64xf32, #tpu.memory_space<vmem>>) dst(%dma_wait3A_520 : memref<4x200x64xf32, #tpu.memory_space<hbm>>)
    return
  }
}

</mosaic_0001>

<sc_bundles>
// kernel: kernel.3.cloned.1.call-start
scs
__scs_entry_jumppad:
0x0: {  	(pc) =	sbr.rel $0x88, $3  }
0x1: {  	(tag) =	ssettag $0x0;
	lr =	simm.s32 $0x1  }
0x2: {  	[smem:$0x3FA0] =	sst lr;
	_ =	strace $0xD0000000  }
0x3: {  	_ = 	snop  }
0x4: {  	_ = 	snop  }
0x5: {  	_ = 	snop  }
0x6: {  	_ = 	snop  }
0x7: {  	_ = 	snop  }
__scs_overlays_trampoline_lowered:
0x8: {  	[smem:$0x3FAF] =	sst s0  }
0x9: {  	[smem:$0x3FB0] =	sst s1  }
0xa: {  	[smem:$0x3FB1] =	sst s2  }
0xb: {  	[smem:$0x3FB2] =	sst s3  }
0xc: {  	[smem:$0x3FB3] =	sst s4  }
0xd: {  	[smem:$0x3FB4] =	sst s5  }
0xe: {  	[smem:$0x3FB5] =	sst s6  }
0xf: {  	[smem:$0x3FB6] =	sst s7  }
0x10: {  	[smem:$0x3FB7] =	sst s8  }
0x11: {  	[smem:$0x3FB8] =	sst s9;
	s0 =	simm.s32 @!p0 $0x0  }
0x12: {  	s1 =	sld [smem:$0x3F9E];
	s0 =	simm.s32 @p0 $0x1  }
0x13: {  	[smem:$0x3FB9] =	sst s0;
	s0 =	simm.s32 @!p1 $0x0  }
0x14: {  	s2 =	sld [smem:$0x3F9D];
	s0 =	simm.s32 @p1 $0x1  }
0x15: {  	[smem:$0x3FBA] =	sst s0;
	s0 =	simm.s32 @!p2 $0x0  }
0x16: {  	s3 =	sld [smem:$0x3FDB];
	s0 =	simm.s32 @p2 $0x1  }
0x17: {  	s4 =	simm.s32 $0x1BF5;
	[smem:$0x3FBC] =	sst s0  }
0x18: {  	s0 =	sld [smem:$0x3F9F];
	_ =	swait.ge [sflag:s4], $0x0  }
0x19: {  	s7 =	sld [smem:$0x3FA0]  }
0x1a: {  	s8 =	sadd.s32 $0xFFFFE003, lr  }
0x1b: {  	s9 =	sadd.s32 $0xFFFFFEF7, lr;
	s5 =	simm.s32 $0xFFFFFFFF;
	p2 =	slt.u32 s8, $0xFFFFF086  }
0x1c: {  	p1 =	slt.u32 s9, $0xF7A;
	s5 =	simm.s32 @!p2 $0x0  }
0x1d: {  	s5 =	simm.s32 @p1 $0x1;
	p0 =	seq.s32 s7, s2  }
0x1e: {  	s7 =	smul.u32 @!p0 $0xF7A, s2;
	p2 =	seq.s32 @!p0 s5, $0x0  }
0x1f: {  	s9 =	smul.u32 $0xF7A, s1;
	s8 =	simm.s32 @!p0 $0x1BF5;
	p2 =	por !p2, p0  }
0x20: {  	[sflag:s8] =	ssyncset.s32 @!p0 $0xFFFFF086;
	s6 =	sadd.s32 @!p0 s3, s7;
	s7 =	simm.s32 @!p0 $0x108  }
0x21: {  	s3 =	sadd.s32 s3, s9;
	s6 =	sadd.s32 @!p0 $0x88, s6;
	s7 =	simm.s32 @p2 $0x1082  }
0x22: {  	[simem:s7], [sflag:s8] =	dma.local @!p0 [hbm:s6], $0xF7A  }
0x23: {  	s9 =	sor.u32 $0xD0000000, s2;
	s6 =	simm.s32 $0x108;
	_ =	swait.ge @!p0 [sflag:s8], $0x0  }
0x24: {  	s3 =	sadd.s32 $0x88, s3;
	s6 =	simm.s32 @!p1 $0x1082;
	[sflag:s4] =	ssyncset.s32 $0xFFFFF086  }
0x25: {  	[simem:s6], [sflag:s4] =	dma.local [hbm:s3], $0xF7A  }
0x26: {  	[smem:$0x3FA0] =	sst s1;
	(tag) =	ssettag s2;
	_ =	strace s9  }
0x27: {  	s1 =	sld [smem:$0x3FB0]  }
0x28: {  	s2 =	sld [smem:$0x3FB1]  }
0x29: {  	s4 =	sld [smem:$0x3FB3]  }
0x2a: {  	p0 =	seq.s32 s5, $0x0;
	s5 =	sld [smem:$0x3FB4]  }
0x2b: {  	s6 =	sld [smem:$0x3FB5]  }
0x2c: {  	s7 =	sld [smem:$0x3FB6]  }
0x2d: {  	s3 =	simm.s32 $0x108;
	s8 =	sld [smem:$0x3FB7]  }
0x2e: {  	s3 =	simm.s32 @!p0 $0x1082;
	s9 =	sld [smem:$0x3FB8]  }
0x2f: {  	lr =	sadd.s32 s0, s3;
	s0 =	sld [smem:$0x3FAF]  }
0x30: {  	s3 =	sld [smem:$0x3FB2]  }
0x31: {  	[smem:$0x3FBB] =	sst s10  }
0x32: {  	s10 =	sld [smem:$0x3FB9];
	_ =	sdelay $0x3  }
0x33: {  	p0 =	seq.s32 s10, $0x1;
	s10 =	sld [smem:$0x3FBB];
	_ =	sdelay $0x3  }
0x34: {  	[smem:$0x3FBB] =	sst s10  }
0x35: {  	s10 =	sld [smem:$0x3FBA];
	_ =	sdelay $0x3  }
0x36: {  	p1 =	seq.s32 s10, $0x1;
	s10 =	sld [smem:$0x3FBB];
	_ =	sdelay $0x3  }
0x37: {  	[smem:$0x3FBB] =	sst s10  }
0x38: {  	s10 =	sld [smem:$0x3FBC]  }
0x39: {  	_ = 	snop;
	(pc) =	sbr.ind lr, $3  }
0x3a: {  	_ = 	snop  }
0x3b: {  	_ = 	snop  }
0x3c: {  	p2 =	seq.s32 s10, $0x1;
	s10 =	sld [smem:$0x3FBB]  }
0x3d: {  	_ =	shalt  }
0x3e: {  	_ =	shalt  }
0x3f: {  	_ =	shalt  }
0x40: {  	_ =	shalt  }
0x41: {  	_ =	shalt  }
0x42: {  	_ =	shalt  }
0x43: {  	_ =	shalt  }
0x44: {  	_ =	shalt  }
0x45: {  	_ =	shalt  }
0x46: {  	_ =	shalt  }
0x47: {  	_ =	shalt  }
0x48: {  	_ =	shalt  }
0x49: {  	_ =	shalt  }
0x4a: {  	_ =	shalt  }
0x4b: {  	_ =	shalt  }
0x4c: {  	_ =	shalt  }
0x4d: {  	_ =	shalt  }
0x4e: {  	_ =	shalt  }
0x4f: {  	_ =	shalt  }
0x50: {  	_ =	shalt  }
0x51: {  	_ =	shalt  }
0x52: {  	_ =	shalt  }
0x53: {  	_ =	shalt  }
0x54: {  	_ =	shalt  }
0x55: {  	_ =	shalt  }
0x56: {  	_ =	shalt  }
0x57: {  	_ =	shalt  }
0x58: {  	_ =	shalt  }
0x59: {  	_ =	shalt  }
0x5a: {  	_ =	shalt  }
0x5b: {  	_ =	shalt  }
0x5c: {  	_ =	shalt  }
0x5d: {  	_ =	shalt  }
0x5e: {  	_ =	shalt  }
0x5f: {  	_ =	shalt  }
0x60: {  	_ =	shalt  }
0x61: {  	_ =	shalt  }
0x62: {  	_ =	shalt  }
0x63: {  	_ =	shalt  }
0x64: {  	_ =	shalt  }
0x65: {  	_ =	shalt  }
0x66: {  	_ =	shalt  }
0x67: {  	_ =	shalt  }
0x68: {  	_ =	shalt  }
0x69: {  	_ =	shalt  }
0x6a: {  	_ =	shalt  }
0x6b: {  	_ =	shalt  }
0x6c: {  	_ =	shalt  }
0x6d: {  	_ =	shalt  }
0x6e: {  	_ =	shalt  }
0x6f: {  	_ =	shalt  }
0x70: {  	_ =	shalt  }
0x71: {  	_ =	shalt  }
0x72: {  	_ =	shalt  }
0x73: {  	_ =	shalt  }
0x74: {  	_ =	shalt  }
0x75: {  	_ =	shalt  }
0x76: {  	_ =	shalt  }
0x77: {  	_ =	shalt  }
0x78: {  	_ =	shalt  }
0x79: {  	_ =	shalt  }
0x7a: {  	_ =	shalt  }
0x7b: {  	_ =	shalt  }
0x7c: {  	_ =	shalt  }
0x7d: {  	_ =	shalt  }
0x7e: {  	_ =	shalt  }
0x7f: {  	_ =	shalt  }
0x80: {  	_ =	shalt  }
0x81: {  	_ =	shalt  }
0x82: {  	_ =	shalt  }
0x83: {  	_ =	shalt  }
0x84: {  	_ =	shalt  }
0x85: {  	_ =	shalt  }
0x86: {  	_ =	shalt  }
0x87: {  	_ =	shalt  }
.Lfunc_end0:
.L_simem_size_0:
called_computation_lowered:
.L_overlay_start_0:
0x88: {  	s2 =	sld [smem:$0x3FD9]  }
0x89: {  	s3 =	sld [smem:$0x3FFE];
	_ =	sdelay $0x1  }
0x8a: {  	s1 =	srdreg.scid  }
0x8b: {  	s0 =	sand.u32 $0x1, s1  }
0x8c: {  	s17 =	sshll.u32 s0, $0xA;
	s2 =	sadd.s32 s3, s2  }
0x8d: {  	s2 =	sadd.s32 s2, s17  }
0x8e: {  	[smem:$0x3FC7] =	sst s2  }
0x8f: {  	_ = 	snop  }
0x90: {  	s2 =	sld [smem:$0x3FD0];
	(tm) =	ssettm $0x1  }
0x91: {  	s18 =	sld [smem:$0x3FFB];
	_ =	sdelay $0x3  }
0x92: {  	_ =	strace s18  }
0x93: {  	s3 =	sld [smem:$0x3FFC];
	_ =	sdelay $0x3  }
0x94: {  	_ =	strace s3  }
0x95: {  	s3 =	sld [smem:$0x3FFD];
	_ =	sdelay $0x3  }
0x96: {  	_ =	strace s3  }
0x97: {  	_ =	strace $0x8FFFFFFF  }
0x98: {  	s19 =	sld [smem:$0x3FDB];
	_ =	sdelay $0x1  }
0x99: {  	s4 =	simm.s32 $_scs_section_size  }
0x9a: {  	s5 =	simm.s32 $_size__tile_overlayer_lowered;
	s6 =	simm.s32 $_tile_overlayer_lowered  }
0x9b: {  	s22 =	simm.s32 $0x1BFF;
	s21 =	sshll.u32 s6, $0x1;
	s3 =	sadd.s32 s4, s19  }
0x9c: {  	s7 =	simm.s32 $0x0;
	s20 =	sshll.u32 s5, $0x1;
	s5 =	sadd.s32 s21, s3  }
0x9d: {  	[timem:s7], [sflag:s22] =	dma.local [hbm:s5], s20  }
0x9e: {  	_ =	swait.ge [sflag:s22], s20  }
0x9f: {  	s4 =	ssub.s32 $0x0, s20;
	[sflag:s22] =	ssyncset.done $0x0  }
0xa0: {  	[sflag:s22] =	ssyncadd.s32 s4;
	_ =	sdelay $0x1  }
0xa1: {  	s23 =	simm.s32 $0x1B8B  }
0xa2: {  	_ =	swait.ge [sflag:s23], $0x1  }
0xa3: {  	[sflag:s23] =	ssyncset.done $0x0  }
0xa4: {  	s25 =	simm.s32 $0x1B8E;
	s24 =	sld [smem:$0x3FFE];
	[sflag:s23] =	ssyncadd.s32 $0xFFFFFFFF  }
0xa5: {  	s26 =	simm.s32 $execute0_lowered;
	[smem:$0x3FD2] =	sst s25  }
0xa6: {  	s5 =	sshll.u32 s26, $0x1;
	_ =	strace $0x80000046;
	[dreg:$0x1] =	wrdreg $0xFFFFFFFF  }
0xa7: {  	s28 =	simm.s32 $_size_execute0_lowered;
	s3 =	sadd.s32 s3, s5;
	[dreg:$0x0] =	wrdreg $0x0  }
0xa8: {  	s5 =	sshll.u32 s28, $0x1;
	[dreg:$0x2] =	wrdreg s3  }
0xa9: {  	[dreg:$0x3] =	wrdreg s5  }
0xaa: {  	[dreg:$0x4] =	wrdreg $0xC0  }
0xab: {  	_ =	task [dreg:s7], $0x5FFFF  }
0xac: {  	[dreg:$0x1] =	wrdreg $0xFFFFFFFF  }
0xad: {  	[dreg:$0x0] =	wrdreg $0x60  }
0xae: {  	[dreg:$0x2] =	wrdreg s2  }
0xaf: {  	[dreg:$0x3] =	wrdreg s24  }
0xb0: {  	[dreg:$0x4] =	wrdreg $0x9  }
0xb1: {  	_ =	task.clear_ibuf [dreg:s7], $0x5FFFF;
	_ =	strace $0x90000046  }
0xb2: {  	s29 =	simm.s32 $0x9;
	_ =	strace $0x80000048  }
0xb3: {  	_ =	swait.ge [sflag:s29], $0x1  }
0xb4: {  	[sflag:s29] =	ssyncadd.s32 $0xFFFFFFFF  }
0xb5: {  	_ =	strace $0x90000048  }
0xb6: {  	_ =	sfence  }
0xb7: {  	s30 =	sld [smem:$0x0];
	_ =	sdelay $0x2  }
0xb8: {  	s31 =	sshll.u32 s1, $0xD;
	s1 =	sshrl.u32 s1, $0x2  }
0xb9: {  	s3 =	sand.u32 $0x4000, s31;
	s1 =	sadd.s32 s1, s30  }
0xba: {  	s0 =	sor.u32 s3, s0;
	s1 =	sshll.u32 s1, $0x11  }
0xbb: {  	s0 =	sor.u32 s1, s0  }
0xbc: {  	s0 =	sadd.s32 $0x8F2B, s0  }
0xbd: {  	[sflag:s0] =	ssyncadd.remote.s32 $0x1  }
0xbe: {  	_ =	sfence.sel $0xFFFF  }
0xbf: {  	[dreg:$0x0] =	wrdreg $0xFFFFFFFF;
	(pc) =	sbr.abs _section_cstart, $3  }
0xc0: {  	[dreg:$0x1] =	wrdreg $0xFFFFFFFF  }
0xc1: {  	_ =	task.clear_ibuf [dreg:s7], $0x2FFFF;
	_ =	strace $0x9FFFFFFF  }
0xc2: {  	(tm) =	ssettm $0x7FFFFFFF  }
0xc3: {  	_ =	shalt  }
tec
execute0_lowered:
.L_overlay_start_1:
0x0: {  	(tag) =	ssettag $0x1  }
0x1: {  	s1 =	srdreg.scid  }
0x2: {  	s0 =	stileid.u32;
	s1 =	sand.u32 $0x1, s1  }
0x3: {  	s2 =	sshll.u32 s0, $0x8;
	s3 =	sshll.u32 s1, $0x7  }
0x4: {  	s3 =	sor.u32 s3, s2  }
0x5: {  	s4 =	smul.u32 $0xC80, s3  }
0x6: {  	s5 =	rddreg [dreg:$0x1];
	s6 =	smul.u32 $0x6400, s3  }
0x7: {  	s5 =	sadd.s32 $0x400, s5;
	s2 =	rddreg [dreg:$0x0];
	s3 =	simm.s32 $0x0  }
0x8: {  	[smem:$0x7FF] =	sst s3;
	s4 =	sadd.s32 s5, s4;
	s6 =	sshrl.u32 s6, $0x3  }
0x9: {  	_ =	strace $0x80000047;
	s7 =	sadd.s32 $0x3200, s4;
	s31 =	sadd.s32 s5, s6  }
0xa: {  	[tilespmem:s3], [sflag:$0x1] =	stream.linear.gather [hbm4b:s2+s3], $0x6400, $0x38;
	[tilespmem:$0x19000] =	vst v63  }
0xb: {  	[dreg:$0x3] =	wrdreg s7;
	s5 =	sadd.s32 $0x6400, s31  }
0xc: {  	s14 =	sadd.s32 $0x9600, s31;
	[dreg:$0x4] =	wrdreg s5  }
0xd: {  	s15 =	sadd.s32 $0xC800, s31;
	[dreg:$0x5] =	wrdreg s14  }
0xe: {  	s16 =	sadd.s32 $0xFA00, s31;
	[dreg:$0x6] =	wrdreg s15  }
0xf: {  	s17 =	sadd.s32 $0x12C00, s31;
	[dreg:$0x7] =	wrdreg s16  }
0x10: {  	s18 =	sadd.s32 $0x15E00, s31;
	[dreg:$0x8] =	wrdreg s17  }
0x11: {  	s19 =	simm.s32 $0x6400;
	s6 =	sadd.s32 $0x19000, s31;
	[dreg:$0x9] =	wrdreg s18  }
0x12: {  	[tilespmem:s19], [sflag:$0x1] =	stream.linear.gather [hbm4b:s2+s3], $0x6400, $0x38;
	[tilespmem:$0x19000] =	vst v63  }
0x13: {  	s20 =	sadd.s32 $0x1C200, s31;
	[dreg:$0xa] =	wrdreg s6;
	s6 =	simm.s32 $0xC800  }
0x14: {  	[tilespmem:s6], [sflag:$0x1] =	stream.linear.gather [hbm4b:s2+s3], $0x6400, $0x38;
	[tilespmem:$0x19000] =	vst v63  }
0x15: {  	s8 =	simm.s32 $0x12C00;
	s7 =	simm.s32 $0x1;
	[dreg:$0xb] =	wrdreg s20  }
0x16: {  	[tilespmem:s8], [sflag:$0x1] =	stream.linear.gather [hbm4b:s2+s3], $0x6400, $0x38;
	[tilespmem:$0x19000] =	vst v63  }
0x17: {  	_ =	swait.ge [sflag:s7], $0x6400  }
0x18: {  	[sflag:s7] =	ssyncset.done $0x0  }
0x19: {  	[sflag:s7] =	ssyncadd.s32 $0xFFFF9C00  }
0x1a: {  	_ =	swait.ge [sflag:s7], $0x6400  }
0x1b: {  	[sflag:s7] =	ssyncset.done $0x0  }
0x1c: {  	[sflag:s7] =	ssyncadd.s32 $0xFFFF9C00  }
0x1d: {  	_ =	swait.ge [sflag:s7], $0x6400  }
0x1e: {  	[sflag:s7] =	ssyncset.done $0x0  }
0x1f: {  	[sflag:s7] =	ssyncadd.s32 $0xFFFF9C00  }
0x20: {  	_ =	swait.ge [sflag:s7], $0x6400  }
0x21: {  	[sflag:s7] =	ssyncset.done $0x0  }
0x22: {  	[sflag:s7] =	ssyncadd.s32 $0xFFFF9C00  }
0x23: {  	[hbm4b:s4+s3] =	stream.linear.scatter [tilespmem:s3], [sflag:$0x1], $0x19000, $0x38;
	[tilespmem:$0x19000] =	vst v63  }
0x24: {  	s9 =	rddreg [dreg:$0x3]  }
0x25: {  	[hbm4b:s9+s3] =	stream.linear.scatter [tilespmem:s3], [sflag:$0x1], $0x19000, $0x38;
	[tilespmem:$0x19000] =	vst v63  }
0x26: {  	s10 =	rddreg [dreg:$0x4]  }
0x27: {  	[hbm4b:s10+s3] =	stream.linear.scatter [tilespmem:s3], [sflag:$0x1], $0x19000, $0x38;
	[tilespmem:$0x19000] =	vst v63  }
0x28: {  	s21 =	rddreg [dreg:$0x5]  }
0x29: {  	[hbm4b:s21+s3] =	stream.linear.scatter [tilespmem:s3], [sflag:$0x1], $0x19000, $0x38;
	[tilespmem:$0x19000] =	vst v63  }
0x2a: {  	s22 =	rddreg [dreg:$0x6]  }
0x2b: {  	[hbm4b:s22+s3] =	stream.linear.scatter [tilespmem:s3], [sflag:$0x1], $0x19000, $0x38;
	[tilespmem:$0x19000] =	vst v63  }
0x2c: {  	s23 =	rddreg [dreg:$0x7]  }
0x2d: {  	[hbm4b:s23+s3] =	stream.linear.scatter [tilespmem:s3], [sflag:$0x1], $0x19000, $0x38;
	[tilespmem:$0x19000] =	vst v63  }
0x2e: {  	s24 =	rddreg [dreg:$0x8]  }
0x2f: {  	[hbm4b:s24+s3] =	stream.linear.scatter [tilespmem:s3], [sflag:$0x1], $0x19000, $0x38;
	[tilespmem:$0x19000] =	vst v63  }
0x30: {  	s25 =	rddreg [dreg:$0x9]  }
0x31: {  	[hbm4b:s25+s3] =	stream.linear.scatter [tilespmem:s3], [sflag:$0x1], $0x19000, $0x38;
	[tilespmem:$0x19000] =	vst v63  }
0x32: {  	s26 =	rddreg [dreg:$0xa]  }
0x33: {  	[hbm4b:s26+s3] =	stream.linear.scatter [tilespmem:s3], [sflag:$0x1], $0x19000, $0x38;
	[tilespmem:$0x19000] =	vst v63  }
0x34: {  	s0 =	rddreg [dreg:$0xb]  }
0x35: {  	[hbm4b:s0+s3] =	stream.linear.scatter [tilespmem:s3], [sflag:$0x1], $0x19000, $0x38;
	[tilespmem:$0x19000] =	vst v63  }
0x36: {  	s9 =	sadd.s32 $0x1F400, s31  }
0x37: {  	[hbm4b:s9+s3] =	stream.linear.scatter [tilespmem:s3], [sflag:$0x1], $0x19000, $0x38;
	[tilespmem:$0x19000] =	vst v63  }
0x38: {  	s10 =	sadd.s32 $0x22600, s31  }
0x39: {  	[hbm4b:s10+s3] =	stream.linear.scatter [tilespmem:s3], [sflag:$0x1], $0x19000, $0x38;
	[tilespmem:$0x19000] =	vst v63  }
0x3a: {  	s11 =	sadd.s32 $0x25800, s31  }
0x3b: {  	[hbm4b:s11+s3] =	stream.linear.scatter [tilespmem:s3], [sflag:$0x1], $0x19000, $0x38;
	[tilespmem:$0x19000] =	vst v63  }
0x3c: {  	s12 =	sadd.s32 $0x28A00, s31  }
0x3d: {  	[hbm4b:s12+s3] =	stream.linear.scatter [tilespmem:s3], [sflag:$0x1], $0x19000, $0x38;
	[tilespmem:$0x19000] =	vst v63  }
0x3e: {  	s13 =	sadd.s32 $0x2BC00, s31  }
0x3f: {  	[hbm4b:s13+s3] =	stream.linear.scatter [tilespmem:s3], [sflag:$0x1], $0x19000, $0x38;
	[tilespmem:$0x19000] =	vst v63  }
0x40: {  	s14 =	sadd.s32 $0x2EE00, s31  }
0x41: {  	[hbm4b:s14+s3] =	stream.linear.scatter [tilespmem:s3], [sflag:$0x1], $0x19000, $0x38;
	[tilespmem:$0x19000] =	vst v63  }
0x42: {  	s15 =	sadd.s32 $0x32000, s31  }
0x43: {  	[hbm4b:s15+s3] =	stream.linear.scatter [tilespmem:s3], [sflag:$0x1], $0x19000, $0x38;
	[tilespmem:$0x19000] =	vst v63  }
0x44: {  	s16 =	sadd.s32 $0x35200, s31  }
0x45: {  	[hbm4b:s16+s3] =	stream.linear.scatter [tilespmem:s3], [sflag:$0x1], $0x19000, $0x38;
	[tilespmem:$0x19000] =	vst v63  }
0x46: {  	s17 =	sadd.s32 $0x38400, s31  }
0x47: {  	[hbm4b:s17+s3] =	stream.linear.scatter [tilespmem:s3], [sflag:$0x1], $0x19000, $0x38;
	[tilespmem:$0x19000] =	vst v63  }
0x48: {  	s18 =	sadd.s32 $0x3B600, s31  }
0x49: {  	[hbm4b:s18+s3] =	stream.linear.scatter [tilespmem:s3], [sflag:$0x1], $0x19000, $0x38;
	[tilespmem:$0x19000] =	vst v63  }
0x4a: {  	s19 =	sadd.s32 $0x3E800, s31  }
0x4b: {  	[hbm4b:s19+s3] =	stream.linear.scatter [tilespmem:s3], [sflag:$0x1], $0x19000, $0x38;
	[tilespmem:$0x19000] =	vst v63  }
0x4c: {  	s20 =	sadd.s32 $0x41A00, s31  }
0x4d: {  	[hbm4b:s20+s3] =	stream.linear.scatter [tilespmem:s3], [sflag:$0x1], $0x19000, $0x38;
	[tilespmem:$0x19000] =	vst v63  }
0x4e: {  	s21 =	sadd.s32 $0x44C00, s31  }
0x4f: {  	[hbm4b:s21+s3] =	stream.linear.scatter [tilespmem:s3], [sflag:$0x1], $0x19000, $0x38;
	[tilespmem:$0x19000] =	vst v63  }
0x50: {  	s22 =	sadd.s32 $0x47E00, s31  }
0x51: {  	[hbm4b:s22+s3] =	stream.linear.scatter [tilespmem:s3], [sflag:$0x1], $0x19000, $0x38;
	[tilespmem:$0x19000] =	vst v63  }
0x52: {  	s23 =	sadd.s32 $0x4B000, s31  }
0x53: {  	[hbm4b:s23+s3] =	stream.linear.scatter [tilespmem:s3], [sflag:$0x1], $0x19000, $0x38;
	[tilespmem:$0x19000] =	vst v63  }
0x54: {  	s24 =	sadd.s32 $0x4E200, s31  }
0x55: {  	[hbm4b:s24+s3] =	stream.linear.scatter [tilespmem:s3], [sflag:$0x1], $0x19000, $0x38;
	[tilespmem:$0x19000] =	vst v63  }
0x56: {  	s25 =	sadd.s32 $0x51400, s31  }
0x57: {  	[hbm4b:s25+s3] =	stream.linear.scatter [tilespmem:s3], [sflag:$0x1], $0x19000, $0x38;
	[tilespmem:$0x19000] =	vst v63  }
0x58: {  	s26 =	sadd.s32 $0x54600, s31  }
0x59: {  	[hbm4b:s26+s3] =	stream.linear.scatter [tilespmem:s3], [sflag:$0x1], $0x19000, $0x38;
	[tilespmem:$0x19000] =	vst v63  }
0x5a: {  	s28 =	sadd.s32 $0x57800, s31  }
0x5b: {  	[hbm4b:s28+s3] =	stream.linear.scatter [tilespmem:s3], [sflag:$0x1], $0x19000, $0x38;
	[tilespmem:$0x19000] =	vst v63  }
0x5c: {  	s29 =	sadd.s32 $0x5AA00, s31  }
0x5d: {  	[hbm4b:s29+s3] =	stream.linear.scatter [tilespmem:s3], [sflag:$0x1], $0x19000, $0x38;
	[tilespmem:$0x19000] =	vst v63  }
0x5e: {  	s30 =	sadd.s32 $0x5DC00, s31  }
0x5f: {  	[hbm4b:s30+s3] =	stream.linear.scatter [tilespmem:s3], [sflag:$0x1], $0x19000, $0x38;
	[tilespmem:$0x19000] =	vst v63  }
0x60: {  	s31 =	sadd.s32 $0x60E00, s31  }
0x61: {  	[hbm4b:s31+s3] =	stream.linear.scatter [tilespmem:s3], [sflag:$0x1], $0x19000, $0x38;
	[tilespmem:$0x19000] =	vst v63  }
0x62: {  	_ =	swait.ge [sflag:s7], $0x19000  }
0x63: {  	[sflag:s7] =	ssyncset.done $0x0  }
0x64: {  	[sflag:s7] =	ssyncadd.s32 $0xFFFE7000  }
0x65: {  	_ =	swait.ge [sflag:s7], $0x19000  }
0x66: {  	[sflag:s7] =	ssyncset.done $0x0  }
0x67: {  	[sflag:s7] =	ssyncadd.s32 $0xFFFE7000  }
0x68: {  	_ =	swait.ge [sflag:s7], $0x19000  }
0x69: {  	[sflag:s7] =	ssyncset.done $0x0  }
0x6a: {  	[sflag:s7] =	ssyncadd.s32 $0xFFFE7000  }
0x6b: {  	_ =	swait.ge [sflag:s7], $0x19000  }
0x6c: {  	[sflag:s7] =	ssyncset.done $0x0  }
0x6d: {  	[sflag:s7] =	ssyncadd.s32 $0xFFFE7000  }
0x6e: {  	_ =	swait.ge [sflag:s7], $0x19000  }
0x6f: {  	[sflag:s7] =	ssyncset.done $0x0  }
0x70: {  	[sflag:s7] =	ssyncadd.s32 $0xFFFE7000  }
0x71: {  	_ =	swait.ge [sflag:s7], $0x19000  }
0x72: {  	[sflag:s7] =	ssyncset.done $0x0  }
0x73: {  	[sflag:s7] =	ssyncadd.s32 $0xFFFE7000  }
0x74: {  	_ =	swait.ge [sflag:s7], $0x19000  }
0x75: {  	[sflag:s7] =	ssyncset.done $0x0  }
0x76: {  	[sflag:s7] =	ssyncadd.s32 $0xFFFE7000  }
0x77: {  	_ =	swait.ge [sflag:s7], $0x19000  }
0x78: {  	[sflag:s7] =	ssyncset.done $0x0  }
0x79: {  	[sflag:s7] =	ssyncadd.s32 $0xFFFE7000  }
0x7a: {  	_ =	swait.ge [sflag:s7], $0x19000  }
0x7b: {  	[sflag:s7] =	ssyncset.done $0x0  }
0x7c: {  	[sflag:s7] =	ssyncadd.s32 $0xFFFE7000  }
0x7d: {  	_ =	swait.ge [sflag:s7], $0x19000  }
0x7e: {  	[sflag:s7] =	ssyncset.done $0x0  }
0x7f: {  	[sflag:s7] =	ssyncadd.s32 $0xFFFE7000  }
0x80: {  	_ =	swait.ge [sflag:s7], $0x19000  }
0x81: {  	[sflag:s7] =	ssyncset.done $0x0  }
0x82: {  	[sflag:s7] =	ssyncadd.s32 $0xFFFE7000  }
0x83: {  	_ =	swait.ge [sflag:s7], $0x19000  }
0x84: {  	[sflag:s7] =	ssyncset.done $0x0  }
0x85: {  	[sflag:s7] =	ssyncadd.s32 $0xFFFE7000  }
0x86: {  	_ =	swait.ge [sflag:s7], $0x19000  }
0x87: {  	[sflag:s7] =	ssyncset.done $0x0  }
0x88: {  	[sflag:s7] =	ssyncadd.s32 $0xFFFE7000  }
0x89: {  	_ =	swait.ge [sflag:s7], $0x19000  }
0x8a: {  	[sflag:s7] =	ssyncset.done $0x0  }
0x8b: {  	[sflag:s7] =	ssyncadd.s32 $0xFFFE7000  }
0x8c: {  	_ =	swait.ge [sflag:s7], $0x19000  }
0x8d: {  	[sflag:s7] =	ssyncset.done $0x0  }
0x8e: {  	[sflag:s7] =	ssyncadd.s32 $0xFFFE7000  }
0x8f: {  	_ =	swait.ge [sflag:s7], $0x19000  }
0x90: {  	[sflag:s7] =	ssyncset.done $0x0  }
0x91: {  	[sflag:s7] =	ssyncadd.s32 $0xFFFE7000  }
0x92: {  	_ =	swait.ge [sflag:s7], $0x19000  }
0x93: {  	[sflag:s7] =	ssyncset.done $0x0  }
0x94: {  	[sflag:s7] =	ssyncadd.s32 $0xFFFE7000  }
0x95: {  	_ =	swait.ge [sflag:s7], $0x19000  }
0x96: {  	[sflag:s7] =	ssyncset.done $0x0  }
0x97: {  	[sflag:s7] =	ssyncadd.s32 $0xFFFE7000  }
0x98: {  	_ =	swait.ge [sflag:s7], $0x19000  }
0x99: {  	[sflag:s7] =	ssyncset.done $0x0  }
0x9a: {  	[sflag:s7] =	ssyncadd.s32 $0xFFFE7000  }
0x9b: {  	_ =	swait.ge [sflag:s7], $0x19000  }
0x9c: {  	[sflag:s7] =	ssyncset.done $0x0  }
0x9d: {  	[sflag:s7] =	ssyncadd.s32 $0xFFFE7000  }
0x9e: {  	_ =	swait.ge [sflag:s7], $0x19000  }
0x9f: {  	[sflag:s7] =	ssyncset.done $0x0  }
0xa0: {  	[sflag:s7] =	ssyncadd.s32 $0xFFFE7000  }
0xa1: {  	_ =	swait.ge [sflag:s7], $0x19000  }
0xa2: {  	[sflag:s7] =	ssyncset.done $0x0  }
0xa3: {  	[sflag:s7] =	ssyncadd.s32 $0xFFFE7000  }
0xa4: {  	_ =	swait.ge [sflag:s7], $0x19000  }
0xa5: {  	[sflag:s7] =	ssyncset.done $0x0  }
0xa6: {  	[sflag:s7] =	ssyncadd.s32 $0xFFFE7000  }
0xa7: {  	_ =	swait.ge [sflag:s7], $0x19000  }
0xa8: {  	[sflag:s7] =	ssyncset.done $0x0  }
0xa9: {  	[sflag:s7] =	ssyncadd.s32 $0xFFFE7000  }
0xaa: {  	_ =	swait.ge [sflag:s7], $0x19000  }
0xab: {  	[sflag:s7] =	ssyncset.done $0x0  }
0xac: {  	[sflag:s7] =	ssyncadd.s32 $0xFFFE7000  }
0xad: {  	_ =	swait.ge [sflag:s7], $0x19000  }
0xae: {  	[sflag:s7] =	ssyncset.done $0x0  }
0xaf: {  	[sflag:s7] =	ssyncadd.s32 $0xFFFE7000  }
0xb0: {  	_ =	swait.ge [sflag:s7], $0x19000  }
0xb1: {  	[sflag:s7] =	ssyncset.done $0x0  }
0xb2: {  	[sflag:s7] =	ssyncadd.s32 $0xFFFE7000  }
0xb3: {  	_ =	swait.ge [sflag:s7], $0x19000  }
0xb4: {  	[sflag:s7] =	ssyncset.done $0x0  }
0xb5: {  	[sflag:s7] =	ssyncadd.s32 $0xFFFE7000  }
0xb6: {  	_ =	swait.ge [sflag:s7], $0x19000  }
0xb7: {  	s1 =	ssub.s32 $0x2, s1;
	[sflag:s7] =	ssyncset.done $0x0  }
0xb8: {  	s5 =	sshrl.u32 s1, $0x1;
	[sflag:s7] =	ssyncadd.s32 $0xFFFE7000  }
0xb9: {  	s0 =	ssub.s32 s1, s5;
	_ =	swait.ge [sflag:s7], $0x19000  }
0xba: {  	s0 =	smax.u32 s0, $0x1;
	[sflag:s7] =	ssyncset.done $0x0  }
0xbb: {  	p0 =	sne.s32 s0, $0x1;
	[sflag:s7] =	ssyncadd.s32 $0xFFFE7000  }
.Ltmp0:
0xbc: {  	_ =	swait.ge [sflag:s7], $0x19000;
	(pc) =	sbr.rel @!p0 .LBB2_2-.Ltmp0, $4  }
0xbd: {  	[sflag:s7] =	ssyncset.done $0x0  }
0xbe: {  	[sflag:s7] =	ssyncadd.s32 $0xFFFE7000  }
0xbf: {  	_ =	swait.ge [sflag:s7], $0x19000  }
0xc0: {  	s1 =	sadd.s32 $0xFFFFFFFF, s0;
	[sflag:s7] =	ssyncset.done $0x0  }
.LBB2_1:
0xc1: {  	[sflag:s7] =	ssyncadd.s32 $0xFFFE7000  }
0xc2: {  	[tilespmem:s3], [sflag:$0x1] =	stream.linear.gather [hbm4b:s2+s3], $0x6400, $0x38;
	[tilespmem:$0x19000] =	vst v63  }
0xc3: {  	s0 =	simm.s32 $0x6400  }
0xc4: {  	[tilespmem:s0], [sflag:$0x1] =	stream.linear.gather [hbm4b:s2+s3], $0x6400, $0x38;
	[tilespmem:$0x19000] =	vst v63  }
0xc5: {  	_ = 	snop  }
0xc6: {  	[tilespmem:s6], [sflag:$0x1] =	stream.linear.gather [hbm4b:s2+s3], $0x6400, $0x38;
	[tilespmem:$0x19000] =	vst v63  }
0xc7: {  	_ = 	snop  }
0xc8: {  	[tilespmem:s8], [sflag:$0x1] =	stream.linear.gather [hbm4b:s2+s3], $0x6400, $0x38;
	[tilespmem:$0x19000] =	vst v63  }
0xc9: {  	_ =	swait.ge [sflag:s7], $0x6400  }
0xca: {  	[sflag:s7] =	ssyncset.done $0x0  }
0xcb: {  	[sflag:s7] =	ssyncadd.s32 $0xFFFF9C00  }
0xcc: {  	_ =	swait.ge [sflag:s7], $0x6400  }
0xcd: {  	[sflag:s7] =	ssyncset.done $0x0  }
0xce: {  	[sflag:s7] =	ssyncadd.s32 $0xFFFF9C00  }
0xcf: {  	_ =	swait.ge [sflag:s7], $0x6400  }
0xd0: {  	[sflag:s7] =	ssyncset.done $0x0  }
0xd1: {  	[sflag:s7] =	ssyncadd.s32 $0xFFFF9C00  }
0xd2: {  	_ =	swait.ge [sflag:s7], $0x6400  }
0xd3: {  	[sflag:s7] =	ssyncset.done $0x0  }
0xd4: {  	[sflag:s7] =	ssyncadd.s32 $0xFFFF9C00  }
0xd5: {  	[hbm4b:s4+s3] =	stream.linear.scatter [tilespmem:s3], [sflag:$0x1], $0x19000, $0x38;
	[tilespmem:$0x19000] =	vst v63  }
0xd6: {  	s0 =	rddreg [dreg:$0x3]  }
0xd7: {  	[hbm4b:s0+s3] =	stream.linear.scatter [tilespmem:s3], [sflag:$0x1], $0x19000, $0x38;
	[tilespmem:$0x19000] =	vst v63  }
0xd8: {  	s5 =	rddreg [dreg:$0x4]  }
0xd9: {  	[hbm4b:s5+s3] =	stream.linear.scatter [tilespmem:s3], [sflag:$0x1], $0x19000, $0x38;
	[tilespmem:$0x19000] =	vst v63  }
0xda: {  	s0 =	rddreg [dreg:$0x5]  }
0xdb: {  	[hbm4b:s0+s3] =	stream.linear.scatter [tilespmem:s3], [sflag:$0x1], $0x19000, $0x38;
	[tilespmem:$0x19000] =	vst v63  }
0xdc: {  	s5 =	rddreg [dreg:$0x6]  }
0xdd: {  	[hbm4b:s5+s3] =	stream.linear.scatter [tilespmem:s3], [sflag:$0x1], $0x19000, $0x38;
	[tilespmem:$0x19000] =	vst v63  }
0xde: {  	s0 =	rddreg [dreg:$0x7]  }
0xdf: {  	[hbm4b:s0+s3] =	stream.linear.scatter [tilespmem:s3], [sflag:$0x1], $0x19000, $0x38;
	[tilespmem:$0x19000] =	vst v63  }
0xe0: {  	s5 =	rddreg [dreg:$0x8]  }
0xe1: {  	[hbm4b:s5+s3] =	stream.linear.scatter [tilespmem:s3], [sflag:$0x1], $0x19000, $0x38;
	[tilespmem:$0x19000] =	vst v63  }
0xe2: {  	s0 =	rddreg [dreg:$0x9]  }
0xe3: {  	[hbm4b:s0+s3] =	stream.linear.scatter [tilespmem:s3], [sflag:$0x1], $0x19000, $0x38;
	[tilespmem:$0x19000] =	vst v63  }
0xe4: {  	s5 =	rddreg [dreg:$0xa]  }
0xe5: {  	[hbm4b:s5+s3] =	stream.linear.scatter [tilespmem:s3], [sflag:$0x1], $0x19000, $0x38;
	[tilespmem:$0x19000] =	vst v63  }
0xe6: {  	s0 =	rddreg [dreg:$0xb]  }
0xe7: {  	[hbm4b:s0+s3] =	stream.linear.scatter [tilespmem:s3], [sflag:$0x1], $0x19000, $0x38;
	[tilespmem:$0x19000] =	vst v63  }
0xe8: {  	_ = 	snop  }
0xe9: {  	[hbm4b:s9+s3] =	stream.linear.scatter [tilespmem:s3], [sflag:$0x1], $0x19000, $0x38;
	[tilespmem:$0x19000] =	vst v63  }
0xea: {  	_ = 	snop  }
0xeb: {  	[hbm4b:s10+s3] =	stream.linear.scatter [tilespmem:s3], [sflag:$0x1], $0x19000, $0x38;
	[tilespmem:$0x19000] =	vst v63  }
0xec: {  	_ = 	snop  }
0xed: {  	[hbm4b:s11+s3] =	stream.linear.scatter [tilespmem:s3], [sflag:$0x1], $0x19000, $0x38;
	[tilespmem:$0x19000] =	vst v63  }
0xee: {  	_ = 	snop  }
0xef: {  	[hbm4b:s12+s3] =	stream.linear.scatter [tilespmem:s3], [sflag:$0x1], $0x19000, $0x38;
	[tilespmem:$0x19000] =	vst v63  }
0xf0: {  	_ = 	snop  }
0xf1: {  	[hbm4b:s13+s3] =	stream.linear.scatter [tilespmem:s3], [sflag:$0x1], $0x19000, $0x38;
	[tilespmem:$0x19000] =	vst v63  }
0xf2: {  	_ = 	snop  }
0xf3: {  	[hbm4b:s14+s3] =	stream.linear.scatter [tilespmem:s3], [sflag:$0x1], $0x19000, $0x38;
	[tilespmem:$0x19000] =	vst v63  }
0xf4: {  	_ = 	snop  }
0xf5: {  	[hbm4b:s15+s3] =	stream.linear.scatter [tilespmem:s3], [sflag:$0x1], $0x19000, $0x38;
	[tilespmem:$0x19000] =	vst v63  }
0xf6: {  	_ = 	snop  }
0xf7: {  	[hbm4b:s16+s3] =	stream.linear.scatter [tilespmem:s3], [sflag:$0x1], $0x19000, $0x38;
	[tilespmem:$0x19000] =	vst v63  }
0xf8: {  	_ = 	snop  }
0xf9: {  	[hbm4b:s17+s3] =	stream.linear.scatter [tilespmem:s3], [sflag:$0x1], $0x19000, $0x38;
	[tilespmem:$0x19000] =	vst v63  }
0xfa: {  	_ = 	snop  }
0xfb: {  	[hbm4b:s18+s3] =	stream.linear.scatter [tilespmem:s3], [sflag:$0x1], $0x19000, $0x38;
	[tilespmem:$0x19000] =	vst v63  }
0xfc: {  	_ = 	snop  }
0xfd: {  	[hbm4b:s19+s3] =	stream.linear.scatter [tilespmem:s3], [sflag:$0x1], $0x19000, $0x38;
	[tilespmem:$0x19000] =	vst v63  }
0xfe: {  	_ = 	snop  }
0xff: {  	[hbm4b:s20+s3] =	stream.linear.scatter [tilespmem:s3], [sflag:$0x1], $0x19000, $0x38;
	[tilespmem:$0x19000] =	vst v63  }
0x100: {  	_ = 	snop  }
0x101: {  	[hbm4b:s21+s3] =	stream.linear.scatter [tilespmem:s3], [sflag:$0x1], $0x19000, $0x38;
	[tilespmem:$0x19000] =	vst v63  }
0x102: {  	_ = 	snop  }
0x103: {  	[hbm4b:s22+s3] =	stream.linear.scatter [tilespmem:s3], [sflag:$0x1], $0x19000, $0x38;
	[tilespmem:$0x19000] =	vst v63  }
0x104: {  	_ = 	snop  }
0x105: {  	[hbm4b:s23+s3] =	stream.linear.scatter [tilespmem:s3], [sflag:$0x1], $0x19000, $0x38;
	[tilespmem:$0x19000] =	vst v63  }
0x106: {  	_ = 	snop  }
0x107: {  	[hbm4b:s24+s3] =	stream.linear.scatter [tilespmem:s3], [sflag:$0x1], $0x19000, $0x38;
	[tilespmem:$0x19000] =	vst v63  }
0x108: {  	_ = 	snop  }
0x109: {  	[hbm4b:s25+s3] =	stream.linear.scatter [tilespmem:s3], [sflag:$0x1], $0x19000, $0x38;
	[tilespmem:$0x19000] =	vst v63  }
0x10a: {  	_ = 	snop  }
0x10b: {  	[hbm4b:s26+s3] =	stream.linear.scatter [tilespmem:s3], [sflag:$0x1], $0x19000, $0x38;
	[tilespmem:$0x19000] =	vst v63  }
0x10c: {  	_ = 	snop  }
0x10d: {  	[hbm4b:s28+s3] =	stream.linear.scatter [tilespmem:s3], [sflag:$0x1], $0x19000, $0x38;
	[tilespmem:$0x19000] =	vst v63  }
0x10e: {  	_ = 	snop  }
0x10f: {  	[hbm4b:s29+s3] =	stream.linear.scatter [tilespmem:s3], [sflag:$0x1], $0x19000, $0x38;
	[tilespmem:$0x19000] =	vst v63  }
0x110: {  	_ = 	snop  }
0x111: {  	[hbm4b:s30+s3] =	stream.linear.scatter [tilespmem:s3], [sflag:$0x1], $0x19000, $0x38;
	[tilespmem:$0x19000] =	vst v63  }
0x112: {  	_ = 	snop  }
0x113: {  	[hbm4b:s31+s3] =	stream.linear.scatter [tilespmem:s3], [sflag:$0x1], $0x19000, $0x38;
	[tilespmem:$0x19000] =	vst v63  }
0x114: {  	_ =	swait.ge [sflag:s7], $0x19000  }
0x115: {  	[sflag:s7] =	ssyncset.done $0x0  }
0x116: {  	[sflag:s7] =	ssyncadd.s32 $0xFFFE7000  }
0x117: {  	_ =	swait.ge [sflag:s7], $0x19000  }
0x118: {  	[sflag:s7] =	ssyncset.done $0x0  }
0x119: {  	[sflag:s7] =	ssyncadd.s32 $0xFFFE7000  }
0x11a: {  	_ =	swait.ge [sflag:s7], $0x19000  }
0x11b: {  	[sflag:s7] =	ssyncset.done $0x0  }
0x11c: {  	[sflag:s7] =	ssyncadd.s32 $0xFFFE7000  }
0x11d: {  	_ =	swait.ge [sflag:s7], $0x19000  }
0x11e: {  	[sflag:s7] =	ssyncset.done $0x0  }
0x11f: {  	[sflag:s7] =	ssyncadd.s32 $0xFFFE7000  }
0x120: {  	_ =	swait.ge [sflag:s7], $0x19000  }
0x121: {  	[sflag:s7] =	ssyncset.done $0x0  }
0x122: {  	[sflag:s7] =	ssyncadd.s32 $0xFFFE7000  }
0x123: {  	_ =	swait.ge [sflag:s7], $0x19000  }
0x124: {  	[sflag:s7] =	ssyncset.done $0x0  }
0x125: {  	[sflag:s7] =	ssyncadd.s32 $0xFFFE7000  }
0x126: {  	_ =	swait.ge [sflag:s7], $0x19000  }
0x127: {  	[sflag:s7] =	ssyncset.done $0x0  }
0x128: {  	[sflag:s7] =	ssyncadd.s32 $0xFFFE7000  }
0x129: {  	_ =	swait.ge [sflag:s7], $0x19000  }
0x12a: {  	[sflag:s7] =	ssyncset.done $0x0  }
0x12b: {  	[sflag:s7] =	ssyncadd.s32 $0xFFFE7000  }
0x12c: {  	_ =	swait.ge [sflag:s7], $0x19000  }
0x12d: {  	[sflag:s7] =	ssyncset.done $0x0  }
0x12e: {  	[sflag:s7] =	ssyncadd.s32 $0xFFFE7000  }
0x12f: {  	_ =	swait.ge [sflag:s7], $0x19000  }
0x130: {  	[sflag:s7] =	ssyncset.done $0x0  }
0x131: {  	[sflag:s7] =	ssyncadd.s32 $0xFFFE7000  }
0x132: {  	_ =	swait.ge [sflag:s7], $0x19000  }
0x133: {  	[sflag:s7] =	ssyncset.done $0x0  }
0x134: {  	[sflag:s7] =	ssyncadd.s32 $0xFFFE7000  }
0x135: {  	_ =	swait.ge [sflag:s7], $0x19000  }
0x136: {  	[sflag:s7] =	ssyncset.done $0x0  }
0x137: {  	[sflag:s7] =	ssyncadd.s32 $0xFFFE7000  }
0x138: {  	_ =	swait.ge [sflag:s7], $0x19000  }
0x139: {  	[sflag:s7] =	ssyncset.done $0x0  }
0x13a: {  	[sflag:s7] =	ssyncadd.s32 $0xFFFE7000  }
0x13b: {  	_ =	swait.ge [sflag:s7], $0x19000  }
0x13c: {  	[sflag:s7] =	ssyncset.done $0x0  }
0x13d: {  	[sflag:s7] =	ssyncadd.s32 $0xFFFE7000  }
0x13e: {  	_ =	swait.ge [sflag:s7], $0x19000  }
0x13f: {  	[sflag:s7] =	ssyncset.done $0x0  }
0x140: {  	[sflag:s7] =	ssyncadd.s32 $0xFFFE7000  }
0x141: {  	_ =	swait.ge [sflag:s7], $0x19000  }
0x142: {  	[sflag:s7] =	ssyncset.done $0x0  }
0x143: {  	[sflag:s7] =	ssyncadd.s32 $0xFFFE7000  }
0x144: {  	_ =	swait.ge [sflag:s7], $0x19000  }
0x145: {  	[sflag:s7] =	ssyncset.done $0x0  }
0x146: {  	[sflag:s7] =	ssyncadd.s32 $0xFFFE7000  }
0x147: {  	_ =	swait.ge [sflag:s7], $0x19000  }
0x148: {  	[sflag:s7] =	ssyncset.done $0x0  }
0x149: {  	[sflag:s7] =	ssyncadd.s32 $0xFFFE7000  }
0x14a: {  	_ =	swait.ge [sflag:s7], $0x19000  }
0x14b: {  	[sflag:s7] =	ssyncset.done $0x0  }
0x14c: {  	[sflag:s7] =	ssyncadd.s32 $0xFFFE7000  }
0x14d: {  	_ =	swait.ge [sflag:s7], $0x19000  }
0x14e: {  	[sflag:s7] =	ssyncset.done $0x0  }
0x14f: {  	[sflag:s7] =	ssyncadd.s32 $0xFFFE7000  }
0x150: {  	_ =	swait.ge [sflag:s7], $0x19000  }
0x151: {  	[sflag:s7] =	ssyncset.done $0x0  }
0x152: {  	[sflag:s7] =	ssyncadd.s32 $0xFFFE7000  }
0x153: {  	_ =	swait.ge [sflag:s7], $0x19000  }
0x154: {  	[sflag:s7] =	ssyncset.done $0x0  }
0x155: {  	[sflag:s7] =	ssyncadd.s32 $0xFFFE7000  }
0x156: {  	_ =	swait.ge [sflag:s7], $0x19000  }
0x157: {  	[sflag:s7] =	ssyncset.done $0x0  }
0x158: {  	[sflag:s7] =	ssyncadd.s32 $0xFFFE7000  }
0x159: {  	_ =	swait.ge [sflag:s7], $0x19000  }
0x15a: {  	[sflag:s7] =	ssyncset.done $0x0  }
0x15b: {  	[sflag:s7] =	ssyncadd.s32 $0xFFFE7000  }
0x15c: {  	_ =	swait.ge [sflag:s7], $0x19000  }
0x15d: {  	[sflag:s7] =	ssyncset.done $0x0  }
0x15e: {  	[sflag:s7] =	ssyncadd.s32 $0xFFFE7000  }
0x15f: {  	_ =	swait.ge [sflag:s7], $0x19000  }
0x160: {  	[sflag:s7] =	ssyncset.done $0x0  }
0x161: {  	[sflag:s7] =	ssyncadd.s32 $0xFFFE7000  }
0x162: {  	_ =	swait.ge [sflag:s7], $0x19000  }
0x163: {  	[sflag:s7] =	ssyncset.done $0x0  }
0x164: {  	[sflag:s7] =	ssyncadd.s32 $0xFFFE7000  }
0x165: {  	_ =	swait.ge [sflag:s7], $0x19000  }
0x166: {  	[sflag:s7] =	ssyncset.done $0x0  }
0x167: {  	[sflag:s7] =	ssyncadd.s32 $0xFFFE7000  }
0x168: {  	_ =	swait.ge [sflag:s7], $0x19000  }
0x169: {  	[sflag:s7] =	ssyncset.done $0x0  }
0x16a: {  	[sflag:s7] =	ssyncadd.s32 $0xFFFE7000  }
0x16b: {  	_ =	swait.ge [sflag:s7], $0x19000  }
0x16c: {  	[sflag:s7] =	ssyncset.done $0x0  }
0x16d: {  	p0 =	sne.s32 s1, $0x1;
	[sflag:s7] =	ssyncadd.s32 $0xFFFE7000  }
.Ltmp1:
0x16e: {  	_ =	swait.ge [sflag:s7], $0x19000;
	(pc) =	sbr.rel @p0 .LBB2_1-.Ltmp1, $4  }
0x16f: {  	[sflag:s7] =	ssyncset.done $0x0  }
0x170: {  	[sflag:s7] =	ssyncadd.s32 $0xFFFE7000  }
0x171: {  	_ =	swait.ge [sflag:s7], $0x19000  }
0x172: {  	s1 =	sadd.s32 $0xFFFFFFFF, s1;
	[sflag:s7] =	ssyncset.done $0x0  }
.LBB2_2:
0x173: {  	[sflag:s7] =	ssyncadd.s32 $0xFFFE7000  }
0x174: {  	_ =	sfence.sel $0x180000  }
0x175: {  	[bflag:$0x0] =	sbarrier.arrive $0xFFFF  }
0x176: {  	_ =	strace $0x90000047  }
0x177: {  	s0 =	stileid.u32;
	[bflag:$0x2] =	sbarrier.arrive $0xFFFF  }
0x178: {  	p0 =	sne.s32 s0, $0x0;
	s0 =	rddreg [dreg:$0x2]  }
0x179: {  	s0 =	sadd.s32 @!p0 $0x100000, s0  }
0x17a: {  	[sflag:s0] =	ssyncadd.tile.s32 @!p0 $0x1;
	_ =	shalt  }
.Lfunc_end2:
_tile_overlayer_lowered:
.L_overlay_start_2:
0x17b: {  	(tag) =	ssettag $0x2  }
0x17c: {  	s0 =	rddreg [dreg:$0x0];
	s2 =	stileid.u32  }
0x17d: {  	s1 =	rddreg [dreg:$0x1];
	p0 =	sne.s32 s2, $0x0  }
0x17e: {  	s3 =	rddreg [dreg:$0x2];
	[bflag:$0x3] =	sbarrier.arrive $0xFFFF;
	s2 =	simm.s32 @!p0 $0x1C02  }
0x17f: {  	[timem:s3], [sflag:s2] =	dma.local @!p0 [hbm:s0], s1  }
0x180: {  	s0 =	simm.s32 @!p0 $0x2  }
0x181: {  	_ =	swait.ge @!p0 [sflag:s0], s1  }
0x182: {  	s1 =	ssub.s32 @!p0 $0x0, s1;
	[sflag:s0] =	ssyncset.done @!p0 $0x0  }
0x183: {  	[sflag:s0] =	ssyncadd.s32 @!p0 s1  }
0x184: {  	[bflag:$0x3] =	sbarrier.arrive $0xFFFF  }
0x185: {  	_ =	shalt  }

</sc_bundles>
